<compile_context>
chip_gen: v7x
topology: tpu7x:2x2x1
jax: 0.10.2.dev20260603
libtpu: 0.0.44.dev20260713+nightly
codegen_flags: <defaults>
</compile_context>

<pallas_src>
import functools

import jax
import jax.numpy as jnp
from jax import lax
from jax.experimental import pallas as pl
from jax.experimental.pallas import tpu as pltpu
from jax.experimental.pallas import tpu_sc as plsc

K = 100000
D = 128
B = 16384
NW = 32
OWN = 3128
OWN_LAST = K - (NW - 1) * OWN
CG = 196
CHUNK = 128
CPCH = 128
SELCAP = 3392
NG = B // 16

_mesh = plsc.VectorSubcoreMesh(core_axis_name="c", subcore_axis_name="s")


@functools.partial(
    pl.kernel,
    out_type=(
        jax.ShapeDtypeStruct((K, D), jnp.float32),
        jax.ShapeDtypeStruct((K,), jnp.int32),
    ),
    mesh=_mesh,
    compiler_params=pltpu.CompilerParams(needs_layout_passes=False),
    scratch_types=[
        pltpu.VMEM((B,), jnp.int32),
        pltpu.VMEM((CG * 16,), jnp.int32),
        pltpu.VMEM((OWN,), jnp.int32),
        pltpu.VMEM((SELCAP,), jnp.int32),
        pltpu.VMEM((SELCAP,), jnp.int32),
        pltpu.VMEM((1, CHUNK), jnp.int32),
        pltpu.VMEM((CHUNK, D), jnp.float32),
        pltpu.VMEM((CHUNK, D), jnp.float32),
        pltpu.VMEM((CHUNK, D), jnp.float32),
        pltpu.VMEM((CHUNK,), jnp.float32),
        pltpu.SemaphoreType.DMA,
        pltpu.SemaphoreType.DMA,
        pltpu.SemaphoreType.DMA,
    ],
)
def _sc_update(x_hbm, y_hbm, mu_hbm, c_hbm, out_mu_hbm, out_c_hbm,
               y_v, slot_v, c_v, selc_v, selp_v, clsw_v, x_ch, mu_ch,
               out_ch, dnm_v, sem_gx, sem_gm, sem_s):
    wid = (lax.axis_index("s") * 2 + lax.axis_index("c")).astype(jnp.int32)
    base = wid * OWN
    is_last = wid == NW - 1
    size = jnp.where(is_last, jnp.int32(OWN_LAST), jnp.int32(OWN))
    iota = lax.iota(jnp.int32, 16)
    zeros16 = jnp.zeros((16,), jnp.int32)

    pltpu.sync_copy(y_hbm, y_v)

    @pl.when(jnp.logical_not(is_last))
    def _():
        pltpu.sync_copy(c_hbm.at[pl.ds(base, OWN)], c_v)

    @pl.when(is_last)
    def _():
        pltpu.sync_copy(c_hbm.at[pl.ds(base, OWN_LAST)],
                        c_v.at[pl.ds(0, OWN_LAST)])

    ctrips = lax.shift_right_logical(size + CPCH - 1, jnp.int32(7))

    def copy_body(t, carry):
        start = base + jnp.minimum(t * CPCH, size - CPCH)
        pltpu.sync_copy(mu_hbm.at[pl.ds(start, CPCH)], mu_ch)
        pltpu.sync_copy(mu_ch, out_mu_hbm.at[pl.ds(start, CPCH)])
        return carry

    lax.fori_loop(jnp.int32(0), ctrips, copy_body, 0)

    neg1 = jnp.full((16,), -1, jnp.int32)

    def init_body(t, carry):
        plsc.store_scatter(slot_v, [t * 16 + iota], neg1)
        return carry

    lax.fori_loop(jnp.int32(0), jnp.int32(CG), init_body, 0)

    end = base + size

    def scan_body(g, carry):
        p = g * 16 + iota
        yv = plsc.load_gather(y_v, [p])
        m = (yv >= base) & (yv < end)
        plsc.store_scatter(slot_v, [yv - base], p, mask=m)
        return carry

    lax.fori_loop(jnp.int32(0), jnp.int32(NG), scan_body, 0)

    def compact_body(t, cnt):
        loc = t * 16 + iota
        sv = plsc.load_gather(slot_v, [loc])
        valid = (sv >= 0) & (loc < size)
        vi = valid.astype(jnp.int32)
        pos = cnt + plsc.cumsum(vi) - vi
        plsc.store_scatter(selc_v, [pos], base + loc, mask=valid)
        plsc.store_scatter(selp_v, [pos], sv, mask=valid)
        cv = plsc.load_gather(c_v, [loc], mask=valid)
        plsc.store_scatter(c_v, [loc], cv + 1, mask=valid)
        return cnt + plsc.all_reduce_population_count(valid)

    cnt_vec = lax.fori_loop(jnp.int32(0), jnp.int32(CG), compact_body, zeros16)
    n_sel = jnp.max(cnt_vec)

    ntrips16 = lax.shift_right_logical(n_sel + 15, jnp.int32(4))

    def fix_body(t, carry):
        q = t * 16 + iota
        mq = q < n_sel
        cls = plsc.load_gather(selc_v, [q], mask=mq)
        p0 = plsc.load_gather(selp_v, [q], mask=mq)
        gb = p0 & jnp.int32(-16)
        best = p0
        for l in range(16):
            yv = plsc.load_gather(y_v, [gb + l], mask=mq)
            cand = gb + l
            best = jnp.where(mq & (yv == cls) & (cand > best), cand, best)
        plsc.store_scatter(selp_v, [q], best, mask=mq)
        return carry

    lax.fori_loop(jnp.int32(0), ntrips16, fix_body, 0)

    @pl.when(n_sel > 0)
    def _():
        v0c = plsc.load_gather(selc_v, [zeros16])
        v0p = plsc.load_gather(selp_v, [zeros16])
        g0 = n_sel & jnp.int32(-16)

        def pad_body(j, carry):
            off = g0 + j * 16 + iota
            mpad = off >= n_sel
            plsc.store_scatter(selc_v, [off], v0c, mask=mpad)
            plsc.store_scatter(selp_v, [off], v0p, mask=mpad)
            return carry

        lax.fori_loop(jnp.int32(0), jnp.int32(CHUNK // 16 + 1), pad_body, 0)

    ntr = lax.shift_right_logical(n_sel + CHUNK - 1, jnp.int32(7))

    def chunk_body(t, carry):
        k0 = t * CHUNK

        def cw_body(j, carry2):
            v = plsc.load_gather(selc_v, [k0 + j * 16 + iota])
            plsc.store_scatter(clsw_v, [zeros16, j * 16 + iota], v)
            return carry2

        lax.fori_loop(jnp.int32(0), jnp.int32(CHUNK // 16), cw_body, 0)

        gx = pltpu.make_async_copy(x_hbm.at[selp_v.at[pl.ds(k0, CHUNK)]],
                                   x_ch, sem_gx)
        gx.start()
        gm = pltpu.make_async_copy(mu_hbm.at[clsw_v.at[jnp.int32(0)]],
                                   mu_ch, sem_gm)
        gm.start()
        gx.wait()
        gm.wait()

        def dnm_body(j, carry2):
            jj = j * 16 + iota
            cg = plsc.load_gather(clsw_v, [zeros16, jj])
            cv = plsc.load_gather(c_v, [cg - base])
            plsc.store_scatter(dnm_v, [jj], 1.0 / cv.astype(jnp.float32))
            return carry2

        lax.fori_loop(jnp.int32(0), jnp.int32(CHUNK // 16), dnm_body, 0)

        def row_body(r, carry2):
            rr = jnp.full((16,), r, jnp.int32)
            dr = plsc.load_gather(dnm_v, [rr])
            for g in range(D // 16):
                col = g * 16 + iota
                xv = plsc.load_gather(x_ch, [rr, col])
                mv = plsc.load_gather(mu_ch, [rr, col])
                plsc.store_scatter(out_ch, [rr, col], mv + (xv - mv) * dr)
            return carry2

        lax.fori_loop(jnp.int32(0), jnp.int32(CHUNK), row_body, 0)

        sc = pltpu.make_async_copy(out_ch, out_mu_hbm.at[clsw_v.at[jnp.int32(0)]],
                                   sem_s)
        sc.start()
        sc.wait()
        return carry

    lax.fori_loop(jnp.int32(0), ntr, chunk_body, 0)

    @pl.when(jnp.logical_not(is_last))
    def _():
        pltpu.sync_copy(c_v, out_c_hbm.at[pl.ds(base, OWN)])

    @pl.when(is_last)
    def _():
        pltpu.sync_copy(c_v.at[pl.ds(0, OWN_LAST)],
                        out_c_hbm.at[pl.ds(base, OWN_LAST)])


def kernel(x, y, mu_k, c_k):
    y32 = y.astype(jnp.int32)
    c32 = c_k.astype(jnp.int32)
    mu_hi = mu_k.astype(jnp.float32)
    out_hi, out_c32 = _sc_update(x, y32, mu_hi, c32)
    mu_out = out_hi.astype(mu_k.dtype)
    c_out = out_c32.astype(c_k.dtype)
    return mu_out, c_out

# --- scband reference (transcript-rebuilt; emitter-appended) ---
"""Pipeline reference for scband-online-learner-72060961292395 (READ-ONLY COPY).

The authoritative reference and input builder live on the scoring server;
editing this copy changes nothing except your own understanding.
"""

import jax, jax.numpy as jnp
import numpy as np
jax.config.update('jax_enable_x64', True)

NUM_CLASSES = 100000
LATENT_DIM = 128
BATCH = 16384

def setup_inputs(seed: int = 0) -> dict:
    key = jax.random.key(seed)
    k1, k2, k3, k4 = jax.random.split(key, 4)
    x = jax.random.normal(k1, (BATCH, LATENT_DIM), dtype=jnp.float32)
    y = jax.random.randint(k2, (BATCH,), 0, NUM_CLASSES, dtype=jnp.int64)
    # module state: running class means (float64) and per-class counts (int)
    mu_k = jax.random.normal(k3, (NUM_CLASSES, LATENT_DIM), dtype=jnp.float64)
    c_k = jax.random.randint(k4, (NUM_CLASSES,), 0, 1000, dtype=jnp.int64)
    return {'x': x, 'y': y, 'mu_k': mu_k, 'c_k': c_k}

def reference(x, y, mu_k, c_k):
    # OnlineLearner.fit: mu_k[y,:] += (x - mu_k[y,:]) / (c_k[y] + 1)[:,None]; c_k[y] += 1
    # torch advanced-index += desugars to gather, compute, scatter-overwrite (last write wins on duplicates)
    xx = x.astype(jnp.float64)
    mu_rows = jnp.take(mu_k, y, axis=0)
    denom = (jnp.take(c_k, y, axis=0) + 1).astype(jnp.float64)[:, None]
    new_rows = mu_rows + (xx - mu_rows) / denom
    mu_k_new = mu_k.at[y].set(new_rows)
    c_k_new = c_k.at[y].set(jnp.take(c_k, y, axis=0) + 1)
    return mu_k_new, c_k_new

if __name__ == "__main__":
    import jax
    _d = setup_inputs()
    print(jax.jit(kernel)(*tuple(_d.values())))

</pallas_src>

<mosaic_0001>
#map = affine_map<(d0, d1) -> (0, 0)>
#map1 = affine_map<(d0, d1) -> (0)>
module attributes {stable_mosaic.version = 14 : i64} {
  func.func @_sc_update(%arg0: i32, %arg1: i32, %arg2: memref<16384x128xf32, #tpu.memory_space<hbm>>, %arg3: memref<16384xi32, #tpu.memory_space<hbm>>, %arg4: memref<100000x128xf32, #tpu.memory_space<hbm>>, %arg5: memref<100000xi32, #tpu.memory_space<hbm>>, %arg6: memref<100000x128xf32, #tpu.memory_space<hbm>>, %arg7: memref<100000xi32, #tpu.memory_space<hbm>>, %arg8: memref<16384xi32, #tpu.memory_space<vmem>>, %arg9: memref<3136xi32, #tpu.memory_space<vmem>>, %arg10: memref<3128xi32, #tpu.memory_space<vmem>>, %arg11: memref<3392xi32, #tpu.memory_space<vmem>>, %arg12: memref<3392xi32, #tpu.memory_space<vmem>>, %arg13: memref<1x128xi32, #tpu.memory_space<vmem>>, %arg14: memref<128x128xf32, #tpu.memory_space<vmem>>, %arg15: memref<128x128xf32, #tpu.memory_space<vmem>>, %arg16: memref<128x128xf32, #tpu.memory_space<vmem>>, %arg17: memref<128xf32, #tpu.memory_space<vmem>>, %arg18: memref<!tpu.dma_semaphore, #tpu.memory_space<semaphore_mem>>, %arg19: memref<!tpu.dma_semaphore, #tpu.memory_space<semaphore_mem>>, %arg20: memref<!tpu.dma_semaphore, #tpu.memory_space<semaphore_mem>>) attributes {dimension_semantics = [#tpu.dimension_semantics<core_parallel>, #tpu.dimension_semantics<subcore_parallel>], iteration_bounds = array<i64: 2, 16>, scalar_prefetch = 0 : i64, scratch_operands = 13 : i64, tpu.core_type = #tpu.core_type<sc_vector_subcore>, window_params = [{transform_indices = #map}, {transform_indices = #map1}, {transform_indices = #map}, {transform_indices = #map1}, {transform_indices = #map}, {transform_indices = #map1}]} {
    %mul3A = arith.constant 2 : i32
    %mul3A_0 = arith.muli %arg1, %mul3A : i32
    %add3A = arith.addi %mul3A_0, %arg0 : i32
    %mul3A_1 = arith.constant 3128 : i32
    %mul3A_2 = arith.muli %add3A, %mul3A_1 : i32
    %eq3A = arith.constant 31 : i32
    %eq3A_3 = arith.cmpi eq, %add3A, %eq3A : i32
    %jit3A = arith.constant 3032 : i32
    %jit3A_4 = arith.constant 3128 : i32
    %select_n3A = arith.select %eq3A_3, %jit3A, %jit3A_4 : i32
    %iota3A = tpu.iota {dimensions = array<i32: 0>} : vector<16xi32>
    %broadcast_in_dim3A = arith.constant 0 : i32
    %broadcast_in_dim3A_5 = vector.broadcast %broadcast_in_dim3A : i32 to vector<16xi32>
    "tpu.region"() ({
      %run_scoped3A = tpu.sem_alloc : memref<!tpu.dma_semaphore, #tpu.memory_space<semaphore_mem>>
      tpu.enqueue_dma source(%arg3 : memref<16384xi32, #tpu.memory_space<hbm>>) target(%arg8 : memref<16384xi32, #tpu.memory_space<vmem>>) target_semaphore(%run_scoped3A : memref<!tpu.dma_semaphore, #tpu.memory_space<semaphore_mem>>)
      tpu.wait_dma2 semaphore(%run_scoped3A : memref<!tpu.dma_semaphore, #tpu.memory_space<semaphore_mem>>) src(%arg3 : memref<16384xi32, #tpu.memory_space<hbm>>) dst(%arg8 : memref<16384xi32, #tpu.memory_space<vmem>>)
      tpu.yield
    }) : () -> ()
    %not3A = arith.constant true
    %not3A_6 = arith.xori %eq3A_3, %not3A : i1
    %convert_element_type3A = arith.extui %not3A_6 : i1 to i32
    %cond3A = arith.constant 0 : i32
    %cond3A_7 = arith.cmpi ne, %convert_element_type3A, %cond3A : i32
    scf.if %cond3A_7 {
      "tpu.region"() ({
        %run_scoped3A = tpu.sem_alloc : memref<!tpu.dma_semaphore, #tpu.memory_space<semaphore_mem>>
        %dma_start3A = tpu.memref_slice %arg5[%mul3A_2] : memref<100000xi32, #tpu.memory_space<hbm>> -> memref<3128xi32, #tpu.memory_space<hbm>>
        %dma_start3A_110 = tpu.memref_slice %arg5[%mul3A_2] : memref<100000xi32, #tpu.memory_space<hbm>> -> memref<3128xi32, #tpu.memory_space<hbm>>
        tpu.enqueue_dma source(%dma_start3A_110 : memref<3128xi32, #tpu.memory_space<hbm>>) target(%arg10 : memref<3128xi32, #tpu.memory_space<vmem>>) target_semaphore(%run_scoped3A : memref<!tpu.dma_semaphore, #tpu.memory_space<semaphore_mem>>)
        %dma_wait3A = tpu.memref_slice %arg5[%mul3A_2] : memref<100000xi32, #tpu.memory_space<hbm>> -> memref<3128xi32, #tpu.memory_space<hbm>>
        %dma_wait3A_111 = tpu.memref_slice %arg5[%mul3A_2] : memref<100000xi32, #tpu.memory_space<hbm>> -> memref<3128xi32, #tpu.memory_space<hbm>>
        tpu.wait_dma2 semaphore(%run_scoped3A : memref<!tpu.dma_semaphore, #tpu.memory_space<semaphore_mem>>) src(%dma_wait3A_111 : memref<3128xi32, #tpu.memory_space<hbm>>) dst(%arg10 : memref<3128xi32, #tpu.memory_space<vmem>>)
        tpu.yield
      }) : () -> ()
    } else {
    }
    %convert_element_type3A_8 = arith.extui %eq3A_3 : i1 to i32
    %cond3A_9 = arith.constant 0 : i32
    %cond3A_10 = arith.cmpi ne, %convert_element_type3A_8, %cond3A_9 : i32
    scf.if %cond3A_10 {
      "tpu.region"() ({
        %run_scoped3A = tpu.sem_alloc : memref<!tpu.dma_semaphore, #tpu.memory_space<semaphore_mem>>
        %dma_start3A = arith.constant 0 : i32
        %dma_start3A_110 = tpu.memref_slice %arg10[%dma_start3A] : memref<3128xi32, #tpu.memory_space<vmem>> -> memref<3032xi32, #tpu.memory_space<vmem>>
        %dma_start3A_111 = tpu.memref_slice %arg5[%mul3A_2] : memref<100000xi32, #tpu.memory_space<hbm>> -> memref<3032xi32, #tpu.memory_space<hbm>>
        %dma_start3A_112 = arith.constant 0 : i32
        %dma_start3A_113 = tpu.memref_slice %arg10[%dma_start3A_112] : memref<3128xi32, #tpu.memory_space<vmem>> -> memref<3032xi32, #tpu.memory_space<vmem>>
        %dma_start3A_114 = tpu.memref_slice %arg5[%mul3A_2] : memref<100000xi32, #tpu.memory_space<hbm>> -> memref<3032xi32, #tpu.memory_space<hbm>>
        tpu.enqueue_dma source(%dma_start3A_114 : memref<3032xi32, #tpu.memory_space<hbm>>) target(%dma_start3A_113 : memref<3032xi32, #tpu.memory_space<vmem>>) target_semaphore(%run_scoped3A : memref<!tpu.dma_semaphore, #tpu.memory_space<semaphore_mem>>)
        %dma_wait3A = arith.constant 0 : i32
        %dma_wait3A_115 = tpu.memref_slice %arg10[%dma_wait3A] : memref<3128xi32, #tpu.memory_space<vmem>> -> memref<3032xi32, #tpu.memory_space<vmem>>
        %dma_wait3A_116 = tpu.memref_slice %arg5[%mul3A_2] : memref<100000xi32, #tpu.memory_space<hbm>> -> memref<3032xi32, #tpu.memory_space<hbm>>
        %dma_wait3A_117 = arith.constant 0 : i32
        %dma_wait3A_118 = tpu.memref_slice %arg10[%dma_wait3A_117] : memref<3128xi32, #tpu.memory_space<vmem>> -> memref<3032xi32, #tpu.memory_space<vmem>>
        %dma_wait3A_119 = tpu.memref_slice %arg5[%mul3A_2] : memref<100000xi32, #tpu.memory_space<hbm>> -> memref<3032xi32, #tpu.memory_space<hbm>>
        tpu.wait_dma2 semaphore(%run_scoped3A : memref<!tpu.dma_semaphore, #tpu.memory_space<semaphore_mem>>) src(%dma_wait3A_119 : memref<3032xi32, #tpu.memory_space<hbm>>) dst(%dma_wait3A_118 : memref<3032xi32, #tpu.memory_space<vmem>>)
        tpu.yield
      }) : () -> ()
    } else {
    }
    %add3A_11 = arith.constant 128 : i32
    %add3A_12 = arith.addi %select_n3A, %add3A_11 : i32
    %sub3A = arith.constant 1 : i32
    %sub3A_13 = arith.subi %add3A_12, %sub3A : i32
    %shift_right_logical3A = arith.constant 7 : i32
    %shift_right_logical3A_14 = arith.shrui %sub3A_13, %shift_right_logical3A : i32
    %while3A = arith.constant 0 : i64
    %while3A_15 = arith.constant 0 : i32
    %while3A_16 = arith.subi %shift_right_logical3A_14, %while3A_15 : i32
    %while3A_17 = arith.addi %while3A_15, %while3A_16 : i32
    %while3A_18 = arith.constant 1 : i32
    %while3A_19 = arith.divsi %while3A_16, %while3A_18 : i32
    %while3A_20 = arith.muli %while3A_19, %while3A_18 : i32
    %while3A_21 = arith.addi %while3A_15, %while3A_20 : i32
    %while3A_22 = arith.constant 1 : i32
    scf.for %while3A_110 = %while3A_15 to %while3A_21 step %while3A_22  : i32 {
      %mul3A_111 = arith.constant 128 : i32
      %mul3A_112 = arith.muli %while3A_110, %mul3A_111 : i32
      %sub3A_113 = arith.constant 128 : i32
      %sub3A_114 = arith.subi %select_n3A, %sub3A_113 : i32
      %min3A = arith.minsi %mul3A_112, %sub3A_114 : i32
      %add3A_115 = arith.addi %mul3A_2, %min3A : i32
      "tpu.region"() ({
        %run_scoped3A = tpu.sem_alloc : memref<!tpu.dma_semaphore, #tpu.memory_space<semaphore_mem>>
        %dma_start3A = arith.constant 0 : i32
        %dma_start3A_116 = tpu.memref_slice %arg4[%add3A_115, %dma_start3A] : memref<100000x128xf32, #tpu.memory_space<hbm>> -> memref<128x128xf32, #tpu.memory_space<hbm>>
        %dma_start3A_117 = arith.constant 0 : i32
        %dma_start3A_118 = tpu.memref_slice %arg4[%add3A_115, %dma_start3A_117] : memref<100000x128xf32, #tpu.memory_space<hbm>> -> memref<128x128xf32, #tpu.memory_space<hbm>>
        tpu.enqueue_dma source(%dma_start3A_118 : memref<128x128xf32, #tpu.memory_space<hbm>>) target(%arg15 : memref<128x128xf32, #tpu.memory_space<vmem>>) target_semaphore(%run_scoped3A : memref<!tpu.dma_semaphore, #tpu.memory_space<semaphore_mem>>)
        %dma_wait3A = arith.constant 0 : i32
        %dma_wait3A_119 = tpu.memref_slice %arg4[%add3A_115, %dma_wait3A] : memref<100000x128xf32, #tpu.memory_space<hbm>> -> memref<128x128xf32, #tpu.memory_space<hbm>>
        %dma_wait3A_120 = arith.constant 0 : i32
        %dma_wait3A_121 = tpu.memref_slice %arg4[%add3A_115, %dma_wait3A_120] : memref<100000x128xf32, #tpu.memory_space<hbm>> -> memref<128x128xf32, #tpu.memory_space<hbm>>
        tpu.wait_dma2 semaphore(%run_scoped3A : memref<!tpu.dma_semaphore, #tpu.memory_space<semaphore_mem>>) src(%dma_wait3A_121 : memref<128x128xf32, #tpu.memory_space<hbm>>) dst(%arg15 : memref<128x128xf32, #tpu.memory_space<vmem>>)
        tpu.yield
      }) : () -> ()
      "tpu.region"() ({
        %run_scoped3A = tpu.sem_alloc : memref<!tpu.dma_semaphore, #tpu.memory_space<semaphore_mem>>
        %dma_start3A = arith.constant 0 : i32
        %dma_start3A_116 = tpu.memref_slice %arg6[%add3A_115, %dma_start3A] : memref<100000x128xf32, #tpu.memory_space<hbm>> -> memref<128x128xf32, #tpu.memory_space<hbm>>
        %dma_start3A_117 = arith.constant 0 : i32
        %dma_start3A_118 = tpu.memref_slice %arg6[%add3A_115, %dma_start3A_117] : memref<100000x128xf32, #tpu.memory_space<hbm>> -> memref<128x128xf32, #tpu.memory_space<hbm>>
        tpu.enqueue_dma source(%arg15 : memref<128x128xf32, #tpu.memory_space<vmem>>) target(%dma_start3A_118 : memref<128x128xf32, #tpu.memory_space<hbm>>) target_semaphore(%run_scoped3A : memref<!tpu.dma_semaphore, #tpu.memory_space<semaphore_mem>>)
        %dma_wait3A = arith.constant 0 : i32
        %dma_wait3A_119 = tpu.memref_slice %arg6[%add3A_115, %dma_wait3A] : memref<100000x128xf32, #tpu.memory_space<hbm>> -> memref<128x128xf32, #tpu.memory_space<hbm>>
        %dma_wait3A_120 = arith.constant 0 : i32
        %dma_wait3A_121 = tpu.memref_slice %arg6[%add3A_115, %dma_wait3A_120] : memref<100000x128xf32, #tpu.memory_space<hbm>> -> memref<128x128xf32, #tpu.memory_space<hbm>>
        tpu.wait_dma2 semaphore(%run_scoped3A : memref<!tpu.dma_semaphore, #tpu.memory_space<semaphore_mem>>) src(%arg15 : memref<128x128xf32, #tpu.memory_space<vmem>>) dst(%dma_wait3A_121 : memref<128x128xf32, #tpu.memory_space<hbm>>)
        tpu.yield
      }) : () -> ()
    }
    %while3A_23 = arith.constant 1 : i32
    scf.for %while3A_110 = %while3A_21 to %while3A_17 step %while3A_23  : i32 {
      %mul3A_111 = arith.constant 128 : i32
      %mul3A_112 = arith.muli %while3A_110, %mul3A_111 : i32
      %sub3A_113 = arith.constant 128 : i32
      %sub3A_114 = arith.subi %select_n3A, %sub3A_113 : i32
      %min3A = arith.minsi %mul3A_112, %sub3A_114 : i32
      %add3A_115 = arith.addi %mul3A_2, %min3A : i32
      "tpu.region"() ({
        %run_scoped3A = tpu.sem_alloc : memref<!tpu.dma_semaphore, #tpu.memory_space<semaphore_mem>>
        %dma_start3A = arith.constant 0 : i32
        %dma_start3A_116 = tpu.memref_slice %arg4[%add3A_115, %dma_start3A] : memref<100000x128xf32, #tpu.memory_space<hbm>> -> memref<128x128xf32, #tpu.memory_space<hbm>>
        %dma_start3A_117 = arith.constant 0 : i32
        %dma_start3A_118 = tpu.memref_slice %arg4[%add3A_115, %dma_start3A_117] : memref<100000x128xf32, #tpu.memory_space<hbm>> -> memref<128x128xf32, #tpu.memory_space<hbm>>
        tpu.enqueue_dma source(%dma_start3A_118 : memref<128x128xf32, #tpu.memory_space<hbm>>) target(%arg15 : memref<128x128xf32, #tpu.memory_space<vmem>>) target_semaphore(%run_scoped3A : memref<!tpu.dma_semaphore, #tpu.memory_space<semaphore_mem>>)
        %dma_wait3A = arith.constant 0 : i32
        %dma_wait3A_119 = tpu.memref_slice %arg4[%add3A_115, %dma_wait3A] : memref<100000x128xf32, #tpu.memory_space<hbm>> -> memref<128x128xf32, #tpu.memory_space<hbm>>
        %dma_wait3A_120 = arith.constant 0 : i32
        %dma_wait3A_121 = tpu.memref_slice %arg4[%add3A_115, %dma_wait3A_120] : memref<100000x128xf32, #tpu.memory_space<hbm>> -> memref<128x128xf32, #tpu.memory_space<hbm>>
        tpu.wait_dma2 semaphore(%run_scoped3A : memref<!tpu.dma_semaphore, #tpu.memory_space<semaphore_mem>>) src(%dma_wait3A_121 : memref<128x128xf32, #tpu.memory_space<hbm>>) dst(%arg15 : memref<128x128xf32, #tpu.memory_space<vmem>>)
        tpu.yield
      }) : () -> ()
      "tpu.region"() ({
        %run_scoped3A = tpu.sem_alloc : memref<!tpu.dma_semaphore, #tpu.memory_space<semaphore_mem>>
        %dma_start3A = arith.constant 0 : i32
        %dma_start3A_116 = tpu.memref_slice %arg6[%add3A_115, %dma_start3A] : memref<100000x128xf32, #tpu.memory_space<hbm>> -> memref<128x128xf32, #tpu.memory_space<hbm>>
        %dma_start3A_117 = arith.constant 0 : i32
        %dma_start3A_118 = tpu.memref_slice %arg6[%add3A_115, %dma_start3A_117] : memref<100000x128xf32, #tpu.memory_space<hbm>> -> memref<128x128xf32, #tpu.memory_space<hbm>>
        tpu.enqueue_dma source(%arg15 : memref<128x128xf32, #tpu.memory_space<vmem>>) target(%dma_start3A_118 : memref<128x128xf32, #tpu.memory_space<hbm>>) target_semaphore(%run_scoped3A : memref<!tpu.dma_semaphore, #tpu.memory_space<semaphore_mem>>)
        %dma_wait3A = arith.constant 0 : i32
        %dma_wait3A_119 = tpu.memref_slice %arg6[%add3A_115, %dma_wait3A] : memref<100000x128xf32, #tpu.memory_space<hbm>> -> memref<128x128xf32, #tpu.memory_space<hbm>>
        %dma_wait3A_120 = arith.constant 0 : i32
        %dma_wait3A_121 = tpu.memref_slice %arg6[%add3A_115, %dma_wait3A_120] : memref<100000x128xf32, #tpu.memory_space<hbm>> -> memref<128x128xf32, #tpu.memory_space<hbm>>
        tpu.wait_dma2 semaphore(%run_scoped3A : memref<!tpu.dma_semaphore, #tpu.memory_space<semaphore_mem>>) src(%arg15 : memref<128x128xf32, #tpu.memory_space<vmem>>) dst(%dma_wait3A_121 : memref<128x128xf32, #tpu.memory_space<hbm>>)
        tpu.yield
      }) : () -> ()
    }
    %broadcast_in_dim3A_24 = arith.constant -1 : i32
    %broadcast_in_dim3A_25 = vector.broadcast %broadcast_in_dim3A_24 : i32 to vector<16xi32>
    %while3A_26 = arith.constant 0 : i64
    %while3A_27 = arith.constant 0 : i32
    %while3A_28 = arith.constant 196 : i32
    %while3A_29 = arith.subi %while3A_28, %while3A_27 : i32
    %while3A_30 = arith.addi %while3A_27, %while3A_29 : i32
    %while3A_31 = arith.constant 1 : i32
    %while3A_32 = arith.divsi %while3A_29, %while3A_31 : i32
    %while3A_33 = arith.muli %while3A_32, %while3A_31 : i32
    %while3A_34 = arith.addi %while3A_27, %while3A_33 : i32
    %while3A_35 = arith.constant 1 : i32
    scf.for %while3A_110 = %while3A_27 to %while3A_34 step %while3A_35  : i32 {
      %mul3A_111 = arith.constant 16 : i32
      %mul3A_112 = arith.muli %while3A_110, %mul3A_111 : i32
      %add3A_113 = vector.broadcast %mul3A_112 : i32 to vector<16xi32>
      %add3A_114 = arith.addi %add3A_113, %iota3A : vector<16xi32>
      tpu.vector_store_idx %arg9[%add3A_114], %broadcast_in_dim3A_25 : memref<3136xi32, #tpu.memory_space<vmem>>[vector<16xi32>], vector<16xi32>,
    }
    %while3A_36 = arith.constant 1 : i32
    scf.for %while3A_110 = %while3A_34 to %while3A_30 step %while3A_36  : i32 {
      %mul3A_111 = arith.constant 16 : i32
      %mul3A_112 = arith.muli %while3A_110, %mul3A_111 : i32
      %add3A_113 = vector.broadcast %mul3A_112 : i32 to vector<16xi32>
      %add3A_114 = arith.addi %add3A_113, %iota3A : vector<16xi32>
      tpu.vector_store_idx %arg9[%add3A_114], %broadcast_in_dim3A_25 : memref<3136xi32, #tpu.memory_space<vmem>>[vector<16xi32>], vector<16xi32>,
    }
    %add3A_37 = arith.addi %mul3A_2, %select_n3A : i32
    %while3A_38 = arith.constant 0 : i64
    %while3A_39 = arith.constant 0 : i32
    %while3A_40 = arith.constant 1024 : i32
    %while3A_41 = arith.subi %while3A_40, %while3A_39 : i32
    %while3A_42 = arith.addi %while3A_39, %while3A_41 : i32
    %while3A_43 = arith.constant 1 : i32
    %while3A_44 = arith.divsi %while3A_41, %while3A_43 : i32
    %while3A_45 = arith.muli %while3A_44, %while3A_43 : i32
    %while3A_46 = arith.addi %while3A_39, %while3A_45 : i32
    %while3A_47 = arith.constant 1 : i32
    scf.for %while3A_110 = %while3A_39 to %while3A_46 step %while3A_47  : i32 {
      %mul3A_111 = arith.constant 16 : i32
      %mul3A_112 = arith.muli %while3A_110, %mul3A_111 : i32
      %add3A_113 = vector.broadcast %mul3A_112 : i32 to vector<16xi32>
      %add3A_114 = arith.addi %add3A_113, %iota3A : vector<16xi32>
      %gather3A = tpu.vector_load_idx %arg8[%add3A_114] : memref<16384xi32, #tpu.memory_space<vmem>>[vector<16xi32>], vector<16xi32>,
      %ge3A = vector.broadcast %mul3A_2 : i32 to vector<16xi32>
      %ge3A_115 = arith.cmpi sge, %gather3A, %ge3A : vector<16xi32>
      %lt3A = vector.broadcast %add3A_37 : i32 to vector<16xi32>
      %lt3A_116 = arith.cmpi slt, %gather3A, %lt3A : vector<16xi32>
      %and3A = arith.andi %ge3A_115, %lt3A_116 : vector<16xi1>
      %sub3A_117 = vector.broadcast %mul3A_2 : i32 to vector<16xi32>
      %sub3A_118 = arith.subi %gather3A, %sub3A_117 : vector<16xi32>
      tpu.vector_store_idx %arg9[%sub3A_118], %add3A_114 masked %and3A : memref<3136xi32, #tpu.memory_space<vmem>>[vector<16xi32>], vector<16xi32>, vector<16xi1>
    }
    %while3A_48 = arith.constant 1 : i32
    scf.for %while3A_110 = %while3A_46 to %while3A_42 step %while3A_48  : i32 {
      %mul3A_111 = arith.constant 16 : i32
      %mul3A_112 = arith.muli %while3A_110, %mul3A_111 : i32
      %add3A_113 = vector.broadcast %mul3A_112 : i32 to vector<16xi32>
      %add3A_114 = arith.addi %add3A_113, %iota3A : vector<16xi32>
      %gather3A = tpu.vector_load_idx %arg8[%add3A_114] : memref<16384xi32, #tpu.memory_space<vmem>>[vector<16xi32>], vector<16xi32>,
      %ge3A = vector.broadcast %mul3A_2 : i32 to vector<16xi32>
      %ge3A_115 = arith.cmpi sge, %gather3A, %ge3A : vector<16xi32>
      %lt3A = vector.broadcast %add3A_37 : i32 to vector<16xi32>
      %lt3A_116 = arith.cmpi slt, %gather3A, %lt3A : vector<16xi32>
      %and3A = arith.andi %ge3A_115, %lt3A_116 : vector<16xi1>
      %sub3A_117 = vector.broadcast %mul3A_2 : i32 to vector<16xi32>
      %sub3A_118 = arith.subi %gather3A, %sub3A_117 : vector<16xi32>
      tpu.vector_store_idx %arg9[%sub3A_118], %add3A_114 masked %and3A : memref<3136xi32, #tpu.memory_space<vmem>>[vector<16xi32>], vector<16xi32>, vector<16xi1>
    }
    %while3A_49 = arith.constant 0 : i32
    %while3A_50 = arith.constant 196 : i32
    %while3A_51 = arith.subi %while3A_50, %while3A_49 : i32
    %while3A_52 = arith.addi %while3A_49, %while3A_51 : i32
    %while3A_53 = arith.constant 1 : i32
    %while3A_54 = arith.divsi %while3A_51, %while3A_53 : i32
    %while3A_55 = arith.muli %while3A_54, %while3A_53 : i32
    %while3A_56 = arith.addi %while3A_49, %while3A_55 : i32
    %while3A_57 = arith.constant 1 : i32
    %while3A_58 = scf.for %while3A_110 = %while3A_49 to %while3A_56 step %while3A_57 iter_args(%while3A_111 = %broadcast_in_dim3A_5) -> (vector<16xi32>)  : i32 {
      %mul3A_112 = arith.constant 16 : i32
      %mul3A_113 = arith.muli %while3A_110, %mul3A_112 : i32
      %add3A_114 = vector.broadcast %mul3A_113 : i32 to vector<16xi32>
      %add3A_115 = arith.addi %add3A_114, %iota3A : vector<16xi32>
      %gather3A = tpu.vector_load_idx %arg9[%add3A_115] : memref<3136xi32, #tpu.memory_space<vmem>>[vector<16xi32>], vector<16xi32>,
      %ge3A = arith.constant 0 : i32
      %ge3A_116 = vector.broadcast %ge3A : i32 to vector<16xi32>
      %ge3A_117 = arith.cmpi sge, %gather3A, %ge3A_116 : vector<16xi32>
      %lt3A = vector.broadcast %select_n3A : i32 to vector<16xi32>
      %lt3A_118 = arith.cmpi slt, %add3A_115, %lt3A : vector<16xi32>
      %and3A = arith.andi %ge3A_117, %lt3A_118 : vector<16xi1>
      %convert_element_type3A_119 = arith.extui %and3A : vector<16xi1> to vector<16xi32>
      %broadcast_in_dim3A_120 = arith.constant true
      %broadcast_in_dim3A_121 = vector.broadcast %broadcast_in_dim3A_120 : i1 to vector<16xi1>
      %masked_cumsum3A = tpu.scan <sum>, %convert_element_type3A_119 masked %broadcast_in_dim3A_121 : vector<16xi32>, vector<16xi1> -> vector<16xi32>
      %add3A_122 = arith.addi %while3A_111, %masked_cumsum3A : vector<16xi32>
      %sub3A_123 = arith.subi %add3A_122, %convert_element_type3A_119 : vector<16xi32>
      %add3A_124 = vector.broadcast %mul3A_2 : i32 to vector<16xi32>
      %add3A_125 = arith.addi %add3A_124, %add3A_115 : vector<16xi32>
      tpu.vector_store_idx %arg11[%sub3A_123], %add3A_125 masked %and3A : memref<3392xi32, #tpu.memory_space<vmem>>[vector<16xi32>], vector<16xi32>, vector<16xi1>
      tpu.vector_store_idx %arg12[%sub3A_123], %gather3A masked %and3A : memref<3392xi32, #tpu.memory_space<vmem>>[vector<16xi32>], vector<16xi32>, vector<16xi1>
      %gather3A_126 = tpu.vector_load_idx %arg10[%add3A_115] masked %and3A : memref<3128xi32, #tpu.memory_space<vmem>>[vector<16xi32>], vector<16xi32>, vector<16xi1>
      %add3A_127 = arith.constant 1 : i32
      %add3A_128 = vector.broadcast %add3A_127 : i32 to vector<16xi32>
      %add3A_129 = arith.addi %gather3A_126, %add3A_128 : vector<16xi32>
      tpu.vector_store_idx %arg10[%add3A_115], %add3A_129 masked %and3A : memref<3128xi32, #tpu.memory_space<vmem>>[vector<16xi32>], vector<16xi32>, vector<16xi1>
      %all_reduce_population_count3A = tpu.all_reduce %and3A {dim = 0 : i64, kind = #tpu.reduction_kind<sum>} : vector<16xi1> -> vector<16xi32>
      %add3A_130 = arith.addi %while3A_111, %all_reduce_population_count3A : vector<16xi32>
      scf.yield %add3A_130 : vector<16xi32>
    }
    %while3A_59 = arith.constant 1 : i32
    %while3A_60 = scf.for %while3A_110 = %while3A_56 to %while3A_52 step %while3A_59 iter_args(%while3A_111 = %while3A_58) -> (vector<16xi32>)  : i32 {
      %mul3A_112 = arith.constant 16 : i32
      %mul3A_113 = arith.muli %while3A_110, %mul3A_112 : i32
      %add3A_114 = vector.broadcast %mul3A_113 : i32 to vector<16xi32>
      %add3A_115 = arith.addi %add3A_114, %iota3A : vector<16xi32>
      %gather3A = tpu.vector_load_idx %arg9[%add3A_115] : memref<3136xi32, #tpu.memory_space<vmem>>[vector<16xi32>], vector<16xi32>,
      %ge3A = arith.constant 0 : i32
      %ge3A_116 = vector.broadcast %ge3A : i32 to vector<16xi32>
      %ge3A_117 = arith.cmpi sge, %gather3A, %ge3A_116 : vector<16xi32>
      %lt3A = vector.broadcast %select_n3A : i32 to vector<16xi32>
      %lt3A_118 = arith.cmpi slt, %add3A_115, %lt3A : vector<16xi32>
      %and3A = arith.andi %ge3A_117, %lt3A_118 : vector<16xi1>
      %convert_element_type3A_119 = arith.extui %and3A : vector<16xi1> to vector<16xi32>
      %broadcast_in_dim3A_120 = arith.constant true
      %broadcast_in_dim3A_121 = vector.broadcast %broadcast_in_dim3A_120 : i1 to vector<16xi1>
      %masked_cumsum3A = tpu.scan <sum>, %convert_element_type3A_119 masked %broadcast_in_dim3A_121 : vector<16xi32>, vector<16xi1> -> vector<16xi32>
      %add3A_122 = arith.addi %while3A_111, %masked_cumsum3A : vector<16xi32>
      %sub3A_123 = arith.subi %add3A_122, %convert_element_type3A_119 : vector<16xi32>
      %add3A_124 = vector.broadcast %mul3A_2 : i32 to vector<16xi32>
      %add3A_125 = arith.addi %add3A_124, %add3A_115 : vector<16xi32>
      tpu.vector_store_idx %arg11[%sub3A_123], %add3A_125 masked %and3A : memref<3392xi32, #tpu.memory_space<vmem>>[vector<16xi32>], vector<16xi32>, vector<16xi1>
      tpu.vector_store_idx %arg12[%sub3A_123], %gather3A masked %and3A : memref<3392xi32, #tpu.memory_space<vmem>>[vector<16xi32>], vector<16xi32>, vector<16xi1>
      %gather3A_126 = tpu.vector_load_idx %arg10[%add3A_115] masked %and3A : memref<3128xi32, #tpu.memory_space<vmem>>[vector<16xi32>], vector<16xi32>, vector<16xi1>
      %add3A_127 = arith.constant 1 : i32
      %add3A_128 = vector.broadcast %add3A_127 : i32 to vector<16xi32>
      %add3A_129 = arith.addi %gather3A_126, %add3A_128 : vector<16xi32>
      tpu.vector_store_idx %arg10[%add3A_115], %add3A_129 masked %and3A : memref<3128xi32, #tpu.memory_space<vmem>>[vector<16xi32>], vector<16xi32>, vector<16xi1>
      %all_reduce_population_count3A = tpu.all_reduce %and3A {dim = 0 : i64, kind = #tpu.reduction_kind<sum>} : vector<16xi1> -> vector<16xi32>
      %add3A_130 = arith.addi %while3A_111, %all_reduce_population_count3A : vector<16xi32>
      scf.yield %add3A_130 : vector<16xi32>
    }
    %reduce_max3A = arith.constant true
    %reduce_max3A_61 = vector.broadcast %reduce_max3A : i1 to vector<16xi1>
    %reduce_max3A_62 = arith.constant -2147483648 : i32
    %reduce_max3A_63 = vector.broadcast %reduce_max3A_62 : i32 to vector<16xi32>
    %reduce_max3A_64 = arith.xori %while3A_60, %reduce_max3A_63 : vector<16xi32>
    %reduce_max3A_65 = tpu.scan <max>, %reduce_max3A_64 masked %reduce_max3A_61 : vector<16xi32>, vector<16xi1> -> vector<16xi32>
    %reduce_max3A_66 = arith.xori %reduce_max3A_65, %reduce_max3A_63 : vector<16xi32>
    %reduce_max3A_67 = vector.extract %reduce_max3A_66[15] : i32 from vector<16xi32>
    %add3A_68 = arith.constant 15 : i32
    %add3A_69 = arith.addi %reduce_max3A_67, %add3A_68 : i32
    %shift_right_logical3A_70 = arith.constant 4 : i32
    %shift_right_logical3A_71 = arith.shrui %add3A_69, %shift_right_logical3A_70 : i32
    %while3A_72 = arith.constant 0 : i64
    %while3A_73 = arith.constant 0 : i32
    %while3A_74 = arith.subi %shift_right_logical3A_71, %while3A_73 : i32
    %while3A_75 = arith.addi %while3A_73, %while3A_74 : i32
    %while3A_76 = arith.constant 1 : i32
    %while3A_77 = arith.divsi %while3A_74, %while3A_76 : i32
    %while3A_78 = arith.muli %while3A_77, %while3A_76 : i32
    %while3A_79 = arith.addi %while3A_73, %while3A_78 : i32
    %while3A_80 = arith.constant 1 : i32
    scf.for %while3A_110 = %while3A_73 to %while3A_79 step %while3A_80  : i32 {
      %mul3A_111 = arith.constant 16 : i32
      %mul3A_112 = arith.muli %while3A_110, %mul3A_111 : i32
      %add3A_113 = vector.broadcast %mul3A_112 : i32 to vector<16xi32>
      %add3A_114 = arith.addi %add3A_113, %iota3A : vector<16xi32>
      %lt3A = vector.broadcast %reduce_max3A_67 : i32 to vector<16xi32>
      %lt3A_115 = arith.cmpi slt, %add3A_114, %lt3A : vector<16xi32>
      %gather3A = tpu.vector_load_idx %arg11[%add3A_114] masked %lt3A_115 : memref<3392xi32, #tpu.memory_space<vmem>>[vector<16xi32>], vector<16xi32>, vector<16xi1>
      %gather3A_116 = tpu.vector_load_idx %arg12[%add3A_114] masked %lt3A_115 : memref<3392xi32, #tpu.memory_space<vmem>>[vector<16xi32>], vector<16xi32>, vector<16xi1>
      %and3A = arith.constant -16 : i32
      %and3A_117 = vector.broadcast %and3A : i32 to vector<16xi32>
      %and3A_118 = arith.andi %gather3A_116, %and3A_117 : vector<16xi32>
      %add3A_119 = arith.constant 0 : i32
      %add3A_120 = vector.broadcast %add3A_119 : i32 to vector<16xi32>
      %add3A_121 = arith.addi %and3A_118, %add3A_120 : vector<16xi32>
      %gather3A_122 = tpu.vector_load_idx %arg8[%add3A_121] masked %lt3A_115 : memref<16384xi32, #tpu.memory_space<vmem>>[vector<16xi32>], vector<16xi32>, vector<16xi1>
      %add3A_123 = arith.constant 0 : i32
      %add3A_124 = vector.broadcast %add3A_123 : i32 to vector<16xi32>
      %add3A_125 = arith.addi %and3A_118, %add3A_124 : vector<16xi32>
      %eq3A_126 = arith.cmpi eq, %gather3A_122, %gather3A : vector<16xi32>
      %and3A_127 = arith.andi %lt3A_115, %eq3A_126 : vector<16xi1>
      %gt3A_128 = arith.cmpi sgt, %add3A_125, %gather3A_116 : vector<16xi32>
      %and3A_129 = arith.andi %and3A_127, %gt3A_128 : vector<16xi1>
      %select_n3A_130 = arith.select %and3A_129, %add3A_125, %gather3A_116 : vector<16xi1>, vector<16xi32>
      %add3A_131 = arith.constant 1 : i32
      %add3A_132 = vector.broadcast %add3A_131 : i32 to vector<16xi32>
      %add3A_133 = arith.addi %and3A_118, %add3A_132 : vector<16xi32>
      %gather3A_134 = tpu.vector_load_idx %arg8[%add3A_133] masked %lt3A_115 : memref<16384xi32, #tpu.memory_space<vmem>>[vector<16xi32>], vector<16xi32>, vector<16xi1>
      %add3A_135 = arith.constant 1 : i32
      %add3A_136 = vector.broadcast %add3A_135 : i32 to vector<16xi32>
      %add3A_137 = arith.addi %and3A_118, %add3A_136 : vector<16xi32>
      %eq3A_138 = arith.cmpi eq, %gather3A_134, %gather3A : vector<16xi32>
      %and3A_139 = arith.andi %lt3A_115, %eq3A_138 : vector<16xi1>
      %gt3A_140 = arith.cmpi sgt, %add3A_137, %select_n3A_130 : vector<16xi32>
      %and3A_141 = arith.andi %and3A_139, %gt3A_140 : vector<16xi1>
      %select_n3A_142 = arith.select %and3A_141, %add3A_137, %select_n3A_130 : vector<16xi1>, vector<16xi32>
      %add3A_143 = arith.constant 2 : i32
      %add3A_144 = vector.broadcast %add3A_143 : i32 to vector<16xi32>
      %add3A_145 = arith.addi %and3A_118, %add3A_144 : vector<16xi32>
      %gather3A_146 = tpu.vector_load_idx %arg8[%add3A_145] masked %lt3A_115 : memref<16384xi32, #tpu.memory_space<vmem>>[vector<16xi32>], vector<16xi32>, vector<16xi1>
      %add3A_147 = arith.constant 2 : i32
      %add3A_148 = vector.broadcast %add3A_147 : i32 to vector<16xi32>
      %add3A_149 = arith.addi %and3A_118, %add3A_148 : vector<16xi32>
      %eq3A_150 = arith.cmpi eq, %gather3A_146, %gather3A : vector<16xi32>
      %and3A_151 = arith.andi %lt3A_115, %eq3A_150 : vector<16xi1>
      %gt3A_152 = arith.cmpi sgt, %add3A_149, %select_n3A_142 : vector<16xi32>
      %and3A_153 = arith.andi %and3A_151, %gt3A_152 : vector<16xi1>
      %select_n3A_154 = arith.select %and3A_153, %add3A_149, %select_n3A_142 : vector<16xi1>, vector<16xi32>
      %add3A_155 = arith.constant 3 : i32
      %add3A_156 = vector.broadcast %add3A_155 : i32 to vector<16xi32>
      %add3A_157 = arith.addi %and3A_118, %add3A_156 : vector<16xi32>
      %gather3A_158 = tpu.vector_load_idx %arg8[%add3A_157] masked %lt3A_115 : memref<16384xi32, #tpu.memory_space<vmem>>[vector<16xi32>], vector<16xi32>, vector<16xi1>
      %add3A_159 = arith.constant 3 : i32
      %add3A_160 = vector.broadcast %add3A_159 : i32 to vector<16xi32>
      %add3A_161 = arith.addi %and3A_118, %add3A_160 : vector<16xi32>
      %eq3A_162 = arith.cmpi eq, %gather3A_158, %gather3A : vector<16xi32>
      %and3A_163 = arith.andi %lt3A_115, %eq3A_162 : vector<16xi1>
      %gt3A_164 = arith.cmpi sgt, %add3A_161, %select_n3A_154 : vector<16xi32>
      %and3A_165 = arith.andi %and3A_163, %gt3A_164 : vector<16xi1>
      %select_n3A_166 = arith.select %and3A_165, %add3A_161, %select_n3A_154 : vector<16xi1>, vector<16xi32>
      %add3A_167 = arith.constant 4 : i32
      %add3A_168 = vector.broadcast %add3A_167 : i32 to vector<16xi32>
      %add3A_169 = arith.addi %and3A_118, %add3A_168 : vector<16xi32>
      %gather3A_170 = tpu.vector_load_idx %arg8[%add3A_169] masked %lt3A_115 : memref<16384xi32, #tpu.memory_space<vmem>>[vector<16xi32>], vector<16xi32>, vector<16xi1>
      %add3A_171 = arith.constant 4 : i32
      %add3A_172 = vector.broadcast %add3A_171 : i32 to vector<16xi32>
      %add3A_173 = arith.addi %and3A_118, %add3A_172 : vector<16xi32>
      %eq3A_174 = arith.cmpi eq, %gather3A_170, %gather3A : vector<16xi32>
      %and3A_175 = arith.andi %lt3A_115, %eq3A_174 : vector<16xi1>
      %gt3A_176 = arith.cmpi sgt, %add3A_173, %select_n3A_166 : vector<16xi32>
      %and3A_177 = arith.andi %and3A_175, %gt3A_176 : vector<16xi1>
      %select_n3A_178 = arith.select %and3A_177, %add3A_173, %select_n3A_166 : vector<16xi1>, vector<16xi32>
      %add3A_179 = arith.constant 5 : i32
      %add3A_180 = vector.broadcast %add3A_179 : i32 to vector<16xi32>
      %add3A_181 = arith.addi %and3A_118, %add3A_180 : vector<16xi32>
      %gather3A_182 = tpu.vector_load_idx %arg8[%add3A_181] masked %lt3A_115 : memref<16384xi32, #tpu.memory_space<vmem>>[vector<16xi32>], vector<16xi32>, vector<16xi1>
      %add3A_183 = arith.constant 5 : i32
      %add3A_184 = vector.broadcast %add3A_183 : i32 to vector<16xi32>
      %add3A_185 = arith.addi %and3A_118, %add3A_184 : vector<16xi32>
      %eq3A_186 = arith.cmpi eq, %gather3A_182, %gather3A : vector<16xi32>
      %and3A_187 = arith.andi %lt3A_115, %eq3A_186 : vector<16xi1>
      %gt3A_188 = arith.cmpi sgt, %add3A_185, %select_n3A_178 : vector<16xi32>
      %and3A_189 = arith.andi %and3A_187, %gt3A_188 : vector<16xi1>
      %select_n3A_190 = arith.select %and3A_189, %add3A_185, %select_n3A_178 : vector<16xi1>, vector<16xi32>
      %add3A_191 = arith.constant 6 : i32
      %add3A_192 = vector.broadcast %add3A_191 : i32 to vector<16xi32>
      %add3A_193 = arith.addi %and3A_118, %add3A_192 : vector<16xi32>
      %gather3A_194 = tpu.vector_load_idx %arg8[%add3A_193] masked %lt3A_115 : memref<16384xi32, #tpu.memory_space<vmem>>[vector<16xi32>], vector<16xi32>, vector<16xi1>
      %add3A_195 = arith.constant 6 : i32
      %add3A_196 = vector.broadcast %add3A_195 : i32 to vector<16xi32>
      %add3A_197 = arith.addi %and3A_118, %add3A_196 : vector<16xi32>
      %eq3A_198 = arith.cmpi eq, %gather3A_194, %gather3A : vector<16xi32>
      %and3A_199 = arith.andi %lt3A_115, %eq3A_198 : vector<16xi1>
      %gt3A_200 = arith.cmpi sgt, %add3A_197, %select_n3A_190 : vector<16xi32>
      %and3A_201 = arith.andi %and3A_199, %gt3A_200 : vector<16xi1>
      %select_n3A_202 = arith.select %and3A_201, %add3A_197, %select_n3A_190 : vector<16xi1>, vector<16xi32>
      %add3A_203 = arith.constant 7 : i32
      %add3A_204 = vector.broadcast %add3A_203 : i32 to vector<16xi32>
      %add3A_205 = arith.addi %and3A_118, %add3A_204 : vector<16xi32>
      %gather3A_206 = tpu.vector_load_idx %arg8[%add3A_205] masked %lt3A_115 : memref<16384xi32, #tpu.memory_space<vmem>>[vector<16xi32>], vector<16xi32>, vector<16xi1>
      %add3A_207 = arith.constant 7 : i32
      %add3A_208 = vector.broadcast %add3A_207 : i32 to vector<16xi32>
      %add3A_209 = arith.addi %and3A_118, %add3A_208 : vector<16xi32>
      %eq3A_210 = arith.cmpi eq, %gather3A_206, %gather3A : vector<16xi32>
      %and3A_211 = arith.andi %lt3A_115, %eq3A_210 : vector<16xi1>
      %gt3A_212 = arith.cmpi sgt, %add3A_209, %select_n3A_202 : vector<16xi32>
      %and3A_213 = arith.andi %and3A_211, %gt3A_212 : vector<16xi1>
      %select_n3A_214 = arith.select %and3A_213, %add3A_209, %select_n3A_202 : vector<16xi1>, vector<16xi32>
      %add3A_215 = arith.constant 8 : i32
      %add3A_216 = vector.broadcast %add3A_215 : i32 to vector<16xi32>
      %add3A_217 = arith.addi %and3A_118, %add3A_216 : vector<16xi32>
      %gather3A_218 = tpu.vector_load_idx %arg8[%add3A_217] masked %lt3A_115 : memref<16384xi32, #tpu.memory_space<vmem>>[vector<16xi32>], vector<16xi32>, vector<16xi1>
      %add3A_219 = arith.constant 8 : i32
      %add3A_220 = vector.broadcast %add3A_219 : i32 to vector<16xi32>
      %add3A_221 = arith.addi %and3A_118, %add3A_220 : vector<16xi32>
      %eq3A_222 = arith.cmpi eq, %gather3A_218, %gather3A : vector<16xi32>
      %and3A_223 = arith.andi %lt3A_115, %eq3A_222 : vector<16xi1>
      %gt3A_224 = arith.cmpi sgt, %add3A_221, %select_n3A_214 : vector<16xi32>
      %and3A_225 = arith.andi %and3A_223, %gt3A_224 : vector<16xi1>
      %select_n3A_226 = arith.select %and3A_225, %add3A_221, %select_n3A_214 : vector<16xi1>, vector<16xi32>
      %add3A_227 = arith.constant 9 : i32
      %add3A_228 = vector.broadcast %add3A_227 : i32 to vector<16xi32>
      %add3A_229 = arith.addi %and3A_118, %add3A_228 : vector<16xi32>
      %gather3A_230 = tpu.vector_load_idx %arg8[%add3A_229] masked %lt3A_115 : memref<16384xi32, #tpu.memory_space<vmem>>[vector<16xi32>], vector<16xi32>, vector<16xi1>
      %add3A_231 = arith.constant 9 : i32
      %add3A_232 = vector.broadcast %add3A_231 : i32 to vector<16xi32>
      %add3A_233 = arith.addi %and3A_118, %add3A_232 : vector<16xi32>
      %eq3A_234 = arith.cmpi eq, %gather3A_230, %gather3A : vector<16xi32>
      %and3A_235 = arith.andi %lt3A_115, %eq3A_234 : vector<16xi1>
      %gt3A_236 = arith.cmpi sgt, %add3A_233, %select_n3A_226 : vector<16xi32>
      %and3A_237 = arith.andi %and3A_235, %gt3A_236 : vector<16xi1>
      %select_n3A_238 = arith.select %and3A_237, %add3A_233, %select_n3A_226 : vector<16xi1>, vector<16xi32>
      %add3A_239 = arith.constant 10 : i32
      %add3A_240 = vector.broadcast %add3A_239 : i32 to vector<16xi32>
      %add3A_241 = arith.addi %and3A_118, %add3A_240 : vector<16xi32>
      %gather3A_242 = tpu.vector_load_idx %arg8[%add3A_241] masked %lt3A_115 : memref<16384xi32, #tpu.memory_space<vmem>>[vector<16xi32>], vector<16xi32>, vector<16xi1>
      %add3A_243 = arith.constant 10 : i32
      %add3A_244 = vector.broadcast %add3A_243 : i32 to vector<16xi32>
      %add3A_245 = arith.addi %and3A_118, %add3A_244 : vector<16xi32>
      %eq3A_246 = arith.cmpi eq, %gather3A_242, %gather3A : vector<16xi32>
      %and3A_247 = arith.andi %lt3A_115, %eq3A_246 : vector<16xi1>
      %gt3A_248 = arith.cmpi sgt, %add3A_245, %select_n3A_238 : vector<16xi32>
      %and3A_249 = arith.andi %and3A_247, %gt3A_248 : vector<16xi1>
      %select_n3A_250 = arith.select %and3A_249, %add3A_245, %select_n3A_238 : vector<16xi1>, vector<16xi32>
      %add3A_251 = arith.constant 11 : i32
      %add3A_252 = vector.broadcast %add3A_251 : i32 to vector<16xi32>
      %add3A_253 = arith.addi %and3A_118, %add3A_252 : vector<16xi32>
      %gather3A_254 = tpu.vector_load_idx %arg8[%add3A_253] masked %lt3A_115 : memref<16384xi32, #tpu.memory_space<vmem>>[vector<16xi32>], vector<16xi32>, vector<16xi1>
      %add3A_255 = arith.constant 11 : i32
      %add3A_256 = vector.broadcast %add3A_255 : i32 to vector<16xi32>
      %add3A_257 = arith.addi %and3A_118, %add3A_256 : vector<16xi32>
      %eq3A_258 = arith.cmpi eq, %gather3A_254, %gather3A : vector<16xi32>
      %and3A_259 = arith.andi %lt3A_115, %eq3A_258 : vector<16xi1>
      %gt3A_260 = arith.cmpi sgt, %add3A_257, %select_n3A_250 : vector<16xi32>
      %and3A_261 = arith.andi %and3A_259, %gt3A_260 : vector<16xi1>
      %select_n3A_262 = arith.select %and3A_261, %add3A_257, %select_n3A_250 : vector<16xi1>, vector<16xi32>
      %add3A_263 = arith.constant 12 : i32
      %add3A_264 = vector.broadcast %add3A_263 : i32 to vector<16xi32>
      %add3A_265 = arith.addi %and3A_118, %add3A_264 : vector<16xi32>
      %gather3A_266 = tpu.vector_load_idx %arg8[%add3A_265] masked %lt3A_115 : memref<16384xi32, #tpu.memory_space<vmem>>[vector<16xi32>], vector<16xi32>, vector<16xi1>
      %add3A_267 = arith.constant 12 : i32
      %add3A_268 = vector.broadcast %add3A_267 : i32 to vector<16xi32>
      %add3A_269 = arith.addi %and3A_118, %add3A_268 : vector<16xi32>
      %eq3A_270 = arith.cmpi eq, %gather3A_266, %gather3A : vector<16xi32>
      %and3A_271 = arith.andi %lt3A_115, %eq3A_270 : vector<16xi1>
      %gt3A_272 = arith.cmpi sgt, %add3A_269, %select_n3A_262 : vector<16xi32>
      %and3A_273 = arith.andi %and3A_271, %gt3A_272 : vector<16xi1>
      %select_n3A_274 = arith.select %and3A_273, %add3A_269, %select_n3A_262 : vector<16xi1>, vector<16xi32>
      %add3A_275 = arith.constant 13 : i32
      %add3A_276 = vector.broadcast %add3A_275 : i32 to vector<16xi32>
      %add3A_277 = arith.addi %and3A_118, %add3A_276 : vector<16xi32>
      %gather3A_278 = tpu.vector_load_idx %arg8[%add3A_277] masked %lt3A_115 : memref<16384xi32, #tpu.memory_space<vmem>>[vector<16xi32>], vector<16xi32>, vector<16xi1>
      %add3A_279 = arith.constant 13 : i32
      %add3A_280 = vector.broadcast %add3A_279 : i32 to vector<16xi32>
      %add3A_281 = arith.addi %and3A_118, %add3A_280 : vector<16xi32>
      %eq3A_282 = arith.cmpi eq, %gather3A_278, %gather3A : vector<16xi32>
      %and3A_283 = arith.andi %lt3A_115, %eq3A_282 : vector<16xi1>
      %gt3A_284 = arith.cmpi sgt, %add3A_281, %select_n3A_274 : vector<16xi32>
      %and3A_285 = arith.andi %and3A_283, %gt3A_284 : vector<16xi1>
      %select_n3A_286 = arith.select %and3A_285, %add3A_281, %select_n3A_274 : vector<16xi1>, vector<16xi32>
      %add3A_287 = arith.constant 14 : i32
      %add3A_288 = vector.broadcast %add3A_287 : i32 to vector<16xi32>
      %add3A_289 = arith.addi %and3A_118, %add3A_288 : vector<16xi32>
      %gather3A_290 = tpu.vector_load_idx %arg8[%add3A_289] masked %lt3A_115 : memref<16384xi32, #tpu.memory_space<vmem>>[vector<16xi32>], vector<16xi32>, vector<16xi1>
      %add3A_291 = arith.constant 14 : i32
      %add3A_292 = vector.broadcast %add3A_291 : i32 to vector<16xi32>
      %add3A_293 = arith.addi %and3A_118, %add3A_292 : vector<16xi32>
      %eq3A_294 = arith.cmpi eq, %gather3A_290, %gather3A : vector<16xi32>
      %and3A_295 = arith.andi %lt3A_115, %eq3A_294 : vector<16xi1>
      %gt3A_296 = arith.cmpi sgt, %add3A_293, %select_n3A_286 : vector<16xi32>
      %and3A_297 = arith.andi %and3A_295, %gt3A_296 : vector<16xi1>
      %select_n3A_298 = arith.select %and3A_297, %add3A_293, %select_n3A_286 : vector<16xi1>, vector<16xi32>
      %add3A_299 = arith.constant 15 : i32
      %add3A_300 = vector.broadcast %add3A_299 : i32 to vector<16xi32>
      %add3A_301 = arith.addi %and3A_118, %add3A_300 : vector<16xi32>
      %gather3A_302 = tpu.vector_load_idx %arg8[%add3A_301] masked %lt3A_115 : memref<16384xi32, #tpu.memory_space<vmem>>[vector<16xi32>], vector<16xi32>, vector<16xi1>
      %add3A_303 = arith.constant 15 : i32
      %add3A_304 = vector.broadcast %add3A_303 : i32 to vector<16xi32>
      %add3A_305 = arith.addi %and3A_118, %add3A_304 : vector<16xi32>
      %eq3A_306 = arith.cmpi eq, %gather3A_302, %gather3A : vector<16xi32>
      %and3A_307 = arith.andi %lt3A_115, %eq3A_306 : vector<16xi1>
      %gt3A_308 = arith.cmpi sgt, %add3A_305, %select_n3A_298 : vector<16xi32>
      %and3A_309 = arith.andi %and3A_307, %gt3A_308 : vector<16xi1>
      %select_n3A_310 = arith.select %and3A_309, %add3A_305, %select_n3A_298 : vector<16xi1>, vector<16xi32>
      tpu.vector_store_idx %arg12[%add3A_114], %select_n3A_310 masked %lt3A_115 : memref<3392xi32, #tpu.memory_space<vmem>>[vector<16xi32>], vector<16xi32>, vector<16xi1>
    }
    %while3A_81 = arith.constant 1 : i32
    scf.for %while3A_110 = %while3A_79 to %while3A_75 step %while3A_81  : i32 {
      %mul3A_111 = arith.constant 16 : i32
      %mul3A_112 = arith.muli %while3A_110, %mul3A_111 : i32
      %add3A_113 = vector.broadcast %mul3A_112 : i32 to vector<16xi32>
      %add3A_114 = arith.addi %add3A_113, %iota3A : vector<16xi32>
      %lt3A = vector.broadcast %reduce_max3A_67 : i32 to vector<16xi32>
      %lt3A_115 = arith.cmpi slt, %add3A_114, %lt3A : vector<16xi32>
      %gather3A = tpu.vector_load_idx %arg11[%add3A_114] masked %lt3A_115 : memref<3392xi32, #tpu.memory_space<vmem>>[vector<16xi32>], vector<16xi32>, vector<16xi1>
      %gather3A_116 = tpu.vector_load_idx %arg12[%add3A_114] masked %lt3A_115 : memref<3392xi32, #tpu.memory_space<vmem>>[vector<16xi32>], vector<16xi32>, vector<16xi1>
      %and3A = arith.constant -16 : i32
      %and3A_117 = vector.broadcast %and3A : i32 to vector<16xi32>
      %and3A_118 = arith.andi %gather3A_116, %and3A_117 : vector<16xi32>
      %add3A_119 = arith.constant 0 : i32
      %add3A_120 = vector.broadcast %add3A_119 : i32 to vector<16xi32>
      %add3A_121 = arith.addi %and3A_118, %add3A_120 : vector<16xi32>
      %gather3A_122 = tpu.vector_load_idx %arg8[%add3A_121] masked %lt3A_115 : memref<16384xi32, #tpu.memory_space<vmem>>[vector<16xi32>], vector<16xi32>, vector<16xi1>
      %add3A_123 = arith.constant 0 : i32
      %add3A_124 = vector.broadcast %add3A_123 : i32 to vector<16xi32>
      %add3A_125 = arith.addi %and3A_118, %add3A_124 : vector<16xi32>
      %eq3A_126 = arith.cmpi eq, %gather3A_122, %gather3A : vector<16xi32>
      %and3A_127 = arith.andi %lt3A_115, %eq3A_126 : vector<16xi1>
      %gt3A_128 = arith.cmpi sgt, %add3A_125, %gather3A_116 : vector<16xi32>
      %and3A_129 = arith.andi %and3A_127, %gt3A_128 : vector<16xi1>
      %select_n3A_130 = arith.select %and3A_129, %add3A_125, %gather3A_116 : vector<16xi1>, vector<16xi32>
      %add3A_131 = arith.constant 1 : i32
      %add3A_132 = vector.broadcast %add3A_131 : i32 to vector<16xi32>
      %add3A_133 = arith.addi %and3A_118, %add3A_132 : vector<16xi32>
      %gather3A_134 = tpu.vector_load_idx %arg8[%add3A_133] masked %lt3A_115 : memref<16384xi32, #tpu.memory_space<vmem>>[vector<16xi32>], vector<16xi32>, vector<16xi1>
      %add3A_135 = arith.constant 1 : i32
      %add3A_136 = vector.broadcast %add3A_135 : i32 to vector<16xi32>
      %add3A_137 = arith.addi %and3A_118, %add3A_136 : vector<16xi32>
      %eq3A_138 = arith.cmpi eq, %gather3A_134, %gather3A : vector<16xi32>
      %and3A_139 = arith.andi %lt3A_115, %eq3A_138 : vector<16xi1>
      %gt3A_140 = arith.cmpi sgt, %add3A_137, %select_n3A_130 : vector<16xi32>
      %and3A_141 = arith.andi %and3A_139, %gt3A_140 : vector<16xi1>
      %select_n3A_142 = arith.select %and3A_141, %add3A_137, %select_n3A_130 : vector<16xi1>, vector<16xi32>
      %add3A_143 = arith.constant 2 : i32
      %add3A_144 = vector.broadcast %add3A_143 : i32 to vector<16xi32>
      %add3A_145 = arith.addi %and3A_118, %add3A_144 : vector<16xi32>
      %gather3A_146 = tpu.vector_load_idx %arg8[%add3A_145] masked %lt3A_115 : memref<16384xi32, #tpu.memory_space<vmem>>[vector<16xi32>], vector<16xi32>, vector<16xi1>
      %add3A_147 = arith.constant 2 : i32
      %add3A_148 = vector.broadcast %add3A_147 : i32 to vector<16xi32>
      %add3A_149 = arith.addi %and3A_118, %add3A_148 : vector<16xi32>
      %eq3A_150 = arith.cmpi eq, %gather3A_146, %gather3A : vector<16xi32>
      %and3A_151 = arith.andi %lt3A_115, %eq3A_150 : vector<16xi1>
      %gt3A_152 = arith.cmpi sgt, %add3A_149, %select_n3A_142 : vector<16xi32>
      %and3A_153 = arith.andi %and3A_151, %gt3A_152 : vector<16xi1>
      %select_n3A_154 = arith.select %and3A_153, %add3A_149, %select_n3A_142 : vector<16xi1>, vector<16xi32>
      %add3A_155 = arith.constant 3 : i32
      %add3A_156 = vector.broadcast %add3A_155 : i32 to vector<16xi32>
      %add3A_157 = arith.addi %and3A_118, %add3A_156 : vector<16xi32>
      %gather3A_158 = tpu.vector_load_idx %arg8[%add3A_157] masked %lt3A_115 : memref<16384xi32, #tpu.memory_space<vmem>>[vector<16xi32>], vector<16xi32>, vector<16xi1>
      %add3A_159 = arith.constant 3 : i32
      %add3A_160 = vector.broadcast %add3A_159 : i32 to vector<16xi32>
      %add3A_161 = arith.addi %and3A_118, %add3A_160 : vector<16xi32>
      %eq3A_162 = arith.cmpi eq, %gather3A_158, %gather3A : vector<16xi32>
      %and3A_163 = arith.andi %lt3A_115, %eq3A_162 : vector<16xi1>
      %gt3A_164 = arith.cmpi sgt, %add3A_161, %select_n3A_154 : vector<16xi32>
      %and3A_165 = arith.andi %and3A_163, %gt3A_164 : vector<16xi1>
      %select_n3A_166 = arith.select %and3A_165, %add3A_161, %select_n3A_154 : vector<16xi1>, vector<16xi32>
      %add3A_167 = arith.constant 4 : i32
      %add3A_168 = vector.broadcast %add3A_167 : i32 to vector<16xi32>
      %add3A_169 = arith.addi %and3A_118, %add3A_168 : vector<16xi32>
      %gather3A_170 = tpu.vector_load_idx %arg8[%add3A_169] masked %lt3A_115 : memref<16384xi32, #tpu.memory_space<vmem>>[vector<16xi32>], vector<16xi32>, vector<16xi1>
      %add3A_171 = arith.constant 4 : i32
      %add3A_172 = vector.broadcast %add3A_171 : i32 to vector<16xi32>
      %add3A_173 = arith.addi %and3A_118, %add3A_172 : vector<16xi32>
      %eq3A_174 = arith.cmpi eq, %gather3A_170, %gather3A : vector<16xi32>
      %and3A_175 = arith.andi %lt3A_115, %eq3A_174 : vector<16xi1>
      %gt3A_176 = arith.cmpi sgt, %add3A_173, %select_n3A_166 : vector<16xi32>
      %and3A_177 = arith.andi %and3A_175, %gt3A_176 : vector<16xi1>
      %select_n3A_178 = arith.select %and3A_177, %add3A_173, %select_n3A_166 : vector<16xi1>, vector<16xi32>
      %add3A_179 = arith.constant 5 : i32
      %add3A_180 = vector.broadcast %add3A_179 : i32 to vector<16xi32>
      %add3A_181 = arith.addi %and3A_118, %add3A_180 : vector<16xi32>
      %gather3A_182 = tpu.vector_load_idx %arg8[%add3A_181] masked %lt3A_115 : memref<16384xi32, #tpu.memory_space<vmem>>[vector<16xi32>], vector<16xi32>, vector<16xi1>
      %add3A_183 = arith.constant 5 : i32
      %add3A_184 = vector.broadcast %add3A_183 : i32 to vector<16xi32>
      %add3A_185 = arith.addi %and3A_118, %add3A_184 : vector<16xi32>
      %eq3A_186 = arith.cmpi eq, %gather3A_182, %gather3A : vector<16xi32>
      %and3A_187 = arith.andi %lt3A_115, %eq3A_186 : vector<16xi1>
      %gt3A_188 = arith.cmpi sgt, %add3A_185, %select_n3A_178 : vector<16xi32>
      %and3A_189 = arith.andi %and3A_187, %gt3A_188 : vector<16xi1>
      %select_n3A_190 = arith.select %and3A_189, %add3A_185, %select_n3A_178 : vector<16xi1>, vector<16xi32>
      %add3A_191 = arith.constant 6 : i32
      %add3A_192 = vector.broadcast %add3A_191 : i32 to vector<16xi32>
      %add3A_193 = arith.addi %and3A_118, %add3A_192 : vector<16xi32>
      %gather3A_194 = tpu.vector_load_idx %arg8[%add3A_193] masked %lt3A_115 : memref<16384xi32, #tpu.memory_space<vmem>>[vector<16xi32>], vector<16xi32>, vector<16xi1>
      %add3A_195 = arith.constant 6 : i32
      %add3A_196 = vector.broadcast %add3A_195 : i32 to vector<16xi32>
      %add3A_197 = arith.addi %and3A_118, %add3A_196 : vector<16xi32>
      %eq3A_198 = arith.cmpi eq, %gather3A_194, %gather3A : vector<16xi32>
      %and3A_199 = arith.andi %lt3A_115, %eq3A_198 : vector<16xi1>
      %gt3A_200 = arith.cmpi sgt, %add3A_197, %select_n3A_190 : vector<16xi32>
      %and3A_201 = arith.andi %and3A_199, %gt3A_200 : vector<16xi1>
      %select_n3A_202 = arith.select %and3A_201, %add3A_197, %select_n3A_190 : vector<16xi1>, vector<16xi32>
      %add3A_203 = arith.constant 7 : i32
      %add3A_204 = vector.broadcast %add3A_203 : i32 to vector<16xi32>
      %add3A_205 = arith.addi %and3A_118, %add3A_204 : vector<16xi32>
      %gather3A_206 = tpu.vector_load_idx %arg8[%add3A_205] masked %lt3A_115 : memref<16384xi32, #tpu.memory_space<vmem>>[vector<16xi32>], vector<16xi32>, vector<16xi1>
      %add3A_207 = arith.constant 7 : i32
      %add3A_208 = vector.broadcast %add3A_207 : i32 to vector<16xi32>
      %add3A_209 = arith.addi %and3A_118, %add3A_208 : vector<16xi32>
      %eq3A_210 = arith.cmpi eq, %gather3A_206, %gather3A : vector<16xi32>
      %and3A_211 = arith.andi %lt3A_115, %eq3A_210 : vector<16xi1>
      %gt3A_212 = arith.cmpi sgt, %add3A_209, %select_n3A_202 : vector<16xi32>
      %and3A_213 = arith.andi %and3A_211, %gt3A_212 : vector<16xi1>
      %select_n3A_214 = arith.select %and3A_213, %add3A_209, %select_n3A_202 : vector<16xi1>, vector<16xi32>
      %add3A_215 = arith.constant 8 : i32
      %add3A_216 = vector.broadcast %add3A_215 : i32 to vector<16xi32>
      %add3A_217 = arith.addi %and3A_118, %add3A_216 : vector<16xi32>
      %gather3A_218 = tpu.vector_load_idx %arg8[%add3A_217] masked %lt3A_115 : memref<16384xi32, #tpu.memory_space<vmem>>[vector<16xi32>], vector<16xi32>, vector<16xi1>
      %add3A_219 = arith.constant 8 : i32
      %add3A_220 = vector.broadcast %add3A_219 : i32 to vector<16xi32>
      %add3A_221 = arith.addi %and3A_118, %add3A_220 : vector<16xi32>
      %eq3A_222 = arith.cmpi eq, %gather3A_218, %gather3A : vector<16xi32>
      %and3A_223 = arith.andi %lt3A_115, %eq3A_222 : vector<16xi1>
      %gt3A_224 = arith.cmpi sgt, %add3A_221, %select_n3A_214 : vector<16xi32>
      %and3A_225 = arith.andi %and3A_223, %gt3A_224 : vector<16xi1>
      %select_n3A_226 = arith.select %and3A_225, %add3A_221, %select_n3A_214 : vector<16xi1>, vector<16xi32>
      %add3A_227 = arith.constant 9 : i32
      %add3A_228 = vector.broadcast %add3A_227 : i32 to vector<16xi32>
      %add3A_229 = arith.addi %and3A_118, %add3A_228 : vector<16xi32>
      %gather3A_230 = tpu.vector_load_idx %arg8[%add3A_229] masked %lt3A_115 : memref<16384xi32, #tpu.memory_space<vmem>>[vector<16xi32>], vector<16xi32>, vector<16xi1>
      %add3A_231 = arith.constant 9 : i32
      %add3A_232 = vector.broadcast %add3A_231 : i32 to vector<16xi32>
      %add3A_233 = arith.addi %and3A_118, %add3A_232 : vector<16xi32>
      %eq3A_234 = arith.cmpi eq, %gather3A_230, %gather3A : vector<16xi32>
      %and3A_235 = arith.andi %lt3A_115, %eq3A_234 : vector<16xi1>
      %gt3A_236 = arith.cmpi sgt, %add3A_233, %select_n3A_226 : vector<16xi32>
      %and3A_237 = arith.andi %and3A_235, %gt3A_236 : vector<16xi1>
      %select_n3A_238 = arith.select %and3A_237, %add3A_233, %select_n3A_226 : vector<16xi1>, vector<16xi32>
      %add3A_239 = arith.constant 10 : i32
      %add3A_240 = vector.broadcast %add3A_239 : i32 to vector<16xi32>
      %add3A_241 = arith.addi %and3A_118, %add3A_240 : vector<16xi32>
      %gather3A_242 = tpu.vector_load_idx %arg8[%add3A_241] masked %lt3A_115 : memref<16384xi32, #tpu.memory_space<vmem>>[vector<16xi32>], vector<16xi32>, vector<16xi1>
      %add3A_243 = arith.constant 10 : i32
      %add3A_244 = vector.broadcast %add3A_243 : i32 to vector<16xi32>
      %add3A_245 = arith.addi %and3A_118, %add3A_244 : vector<16xi32>
      %eq3A_246 = arith.cmpi eq, %gather3A_242, %gather3A : vector<16xi32>
      %and3A_247 = arith.andi %lt3A_115, %eq3A_246 : vector<16xi1>
      %gt3A_248 = arith.cmpi sgt, %add3A_245, %select_n3A_238 : vector<16xi32>
      %and3A_249 = arith.andi %and3A_247, %gt3A_248 : vector<16xi1>
      %select_n3A_250 = arith.select %and3A_249, %add3A_245, %select_n3A_238 : vector<16xi1>, vector<16xi32>
      %add3A_251 = arith.constant 11 : i32
      %add3A_252 = vector.broadcast %add3A_251 : i32 to vector<16xi32>
      %add3A_253 = arith.addi %and3A_118, %add3A_252 : vector<16xi32>
      %gather3A_254 = tpu.vector_load_idx %arg8[%add3A_253] masked %lt3A_115 : memref<16384xi32, #tpu.memory_space<vmem>>[vector<16xi32>], vector<16xi32>, vector<16xi1>
      %add3A_255 = arith.constant 11 : i32
      %add3A_256 = vector.broadcast %add3A_255 : i32 to vector<16xi32>
      %add3A_257 = arith.addi %and3A_118, %add3A_256 : vector<16xi32>
      %eq3A_258 = arith.cmpi eq, %gather3A_254, %gather3A : vector<16xi32>
      %and3A_259 = arith.andi %lt3A_115, %eq3A_258 : vector<16xi1>
      %gt3A_260 = arith.cmpi sgt, %add3A_257, %select_n3A_250 : vector<16xi32>
      %and3A_261 = arith.andi %and3A_259, %gt3A_260 : vector<16xi1>
      %select_n3A_262 = arith.select %and3A_261, %add3A_257, %select_n3A_250 : vector<16xi1>, vector<16xi32>
      %add3A_263 = arith.constant 12 : i32
      %add3A_264 = vector.broadcast %add3A_263 : i32 to vector<16xi32>
      %add3A_265 = arith.addi %and3A_118, %add3A_264 : vector<16xi32>
      %gather3A_266 = tpu.vector_load_idx %arg8[%add3A_265] masked %lt3A_115 : memref<16384xi32, #tpu.memory_space<vmem>>[vector<16xi32>], vector<16xi32>, vector<16xi1>
      %add3A_267 = arith.constant 12 : i32
      %add3A_268 = vector.broadcast %add3A_267 : i32 to vector<16xi32>
      %add3A_269 = arith.addi %and3A_118, %add3A_268 : vector<16xi32>
      %eq3A_270 = arith.cmpi eq, %gather3A_266, %gather3A : vector<16xi32>
      %and3A_271 = arith.andi %lt3A_115, %eq3A_270 : vector<16xi1>
      %gt3A_272 = arith.cmpi sgt, %add3A_269, %select_n3A_262 : vector<16xi32>
      %and3A_273 = arith.andi %and3A_271, %gt3A_272 : vector<16xi1>
      %select_n3A_274 = arith.select %and3A_273, %add3A_269, %select_n3A_262 : vector<16xi1>, vector<16xi32>
      %add3A_275 = arith.constant 13 : i32
      %add3A_276 = vector.broadcast %add3A_275 : i32 to vector<16xi32>
      %add3A_277 = arith.addi %and3A_118, %add3A_276 : vector<16xi32>
      %gather3A_278 = tpu.vector_load_idx %arg8[%add3A_277] masked %lt3A_115 : memref<16384xi32, #tpu.memory_space<vmem>>[vector<16xi32>], vector<16xi32>, vector<16xi1>
      %add3A_279 = arith.constant 13 : i32
      %add3A_280 = vector.broadcast %add3A_279 : i32 to vector<16xi32>
      %add3A_281 = arith.addi %and3A_118, %add3A_280 : vector<16xi32>
      %eq3A_282 = arith.cmpi eq, %gather3A_278, %gather3A : vector<16xi32>
      %and3A_283 = arith.andi %lt3A_115, %eq3A_282 : vector<16xi1>
      %gt3A_284 = arith.cmpi sgt, %add3A_281, %select_n3A_274 : vector<16xi32>
      %and3A_285 = arith.andi %and3A_283, %gt3A_284 : vector<16xi1>
      %select_n3A_286 = arith.select %and3A_285, %add3A_281, %select_n3A_274 : vector<16xi1>, vector<16xi32>
      %add3A_287 = arith.constant 14 : i32
      %add3A_288 = vector.broadcast %add3A_287 : i32 to vector<16xi32>
      %add3A_289 = arith.addi %and3A_118, %add3A_288 : vector<16xi32>
      %gather3A_290 = tpu.vector_load_idx %arg8[%add3A_289] masked %lt3A_115 : memref<16384xi32, #tpu.memory_space<vmem>>[vector<16xi32>], vector<16xi32>, vector<16xi1>
      %add3A_291 = arith.constant 14 : i32
      %add3A_292 = vector.broadcast %add3A_291 : i32 to vector<16xi32>
      %add3A_293 = arith.addi %and3A_118, %add3A_292 : vector<16xi32>
      %eq3A_294 = arith.cmpi eq, %gather3A_290, %gather3A : vector<16xi32>
      %and3A_295 = arith.andi %lt3A_115, %eq3A_294 : vector<16xi1>
      %gt3A_296 = arith.cmpi sgt, %add3A_293, %select_n3A_286 : vector<16xi32>
      %and3A_297 = arith.andi %and3A_295, %gt3A_296 : vector<16xi1>
      %select_n3A_298 = arith.select %and3A_297, %add3A_293, %select_n3A_286 : vector<16xi1>, vector<16xi32>
      %add3A_299 = arith.constant 15 : i32
      %add3A_300 = vector.broadcast %add3A_299 : i32 to vector<16xi32>
      %add3A_301 = arith.addi %and3A_118, %add3A_300 : vector<16xi32>
      %gather3A_302 = tpu.vector_load_idx %arg8[%add3A_301] masked %lt3A_115 : memref<16384xi32, #tpu.memory_space<vmem>>[vector<16xi32>], vector<16xi32>, vector<16xi1>
      %add3A_303 = arith.constant 15 : i32
      %add3A_304 = vector.broadcast %add3A_303 : i32 to vector<16xi32>
      %add3A_305 = arith.addi %and3A_118, %add3A_304 : vector<16xi32>
      %eq3A_306 = arith.cmpi eq, %gather3A_302, %gather3A : vector<16xi32>
      %and3A_307 = arith.andi %lt3A_115, %eq3A_306 : vector<16xi1>
      %gt3A_308 = arith.cmpi sgt, %add3A_305, %select_n3A_298 : vector<16xi32>
      %and3A_309 = arith.andi %and3A_307, %gt3A_308 : vector<16xi1>
      %select_n3A_310 = arith.select %and3A_309, %add3A_305, %select_n3A_298 : vector<16xi1>, vector<16xi32>
      tpu.vector_store_idx %arg12[%add3A_114], %select_n3A_310 masked %lt3A_115 : memref<3392xi32, #tpu.memory_space<vmem>>[vector<16xi32>], vector<16xi32>, vector<16xi1>
    }
    %gt3A = arith.constant 0 : i32
    %gt3A_82 = arith.cmpi sgt, %reduce_max3A_67, %gt3A : i32
    %convert_element_type3A_83 = arith.extui %gt3A_82 : i1 to i32
    %cond3A_84 = arith.constant 0 : i32
    %cond3A_85 = arith.cmpi ne, %convert_element_type3A_83, %cond3A_84 : i32
    scf.if %cond3A_85 {
      %gather3A = tpu.vector_load_idx %arg11[%broadcast_in_dim3A_5] : memref<3392xi32, #tpu.memory_space<vmem>>[vector<16xi32>], vector<16xi32>,
      %gather3A_110 = tpu.vector_load_idx %arg12[%broadcast_in_dim3A_5] : memref<3392xi32, #tpu.memory_space<vmem>>[vector<16xi32>], vector<16xi32>,
      %and3A = arith.constant -16 : i32
      %and3A_111 = arith.andi %reduce_max3A_67, %and3A : i32
      %while3A_112 = arith.constant 0 : i64
      %while3A_113 = arith.constant 0 : i32
      %while3A_114 = arith.constant 9 : i32
      %while3A_115 = arith.subi %while3A_114, %while3A_113 : i32
      %while3A_116 = arith.addi %while3A_113, %while3A_115 : i32
      %while3A_117 = arith.constant 1 : i32
      %while3A_118 = arith.divsi %while3A_115, %while3A_117 : i32
      %while3A_119 = arith.muli %while3A_118, %while3A_117 : i32
      %while3A_120 = arith.addi %while3A_113, %while3A_119 : i32
      %while3A_121 = arith.constant 1 : i32
      scf.for %while3A_123 = %while3A_113 to %while3A_120 step %while3A_121  : i32 {
        %mul3A_124 = arith.constant 16 : i32
        %mul3A_125 = arith.muli %while3A_123, %mul3A_124 : i32
        %add3A_126 = arith.addi %and3A_111, %mul3A_125 : i32
        %add3A_127 = vector.broadcast %add3A_126 : i32 to vector<16xi32>
        %add3A_128 = arith.addi %add3A_127, %iota3A : vector<16xi32>
        %ge3A = vector.broadcast %reduce_max3A_67 : i32 to vector<16xi32>
        %ge3A_129 = arith.cmpi sge, %add3A_128, %ge3A : vector<16xi32>
        tpu.vector_store_idx %arg11[%add3A_128], %gather3A masked %ge3A_129 : memref<3392xi32, #tpu.memory_space<vmem>>[vector<16xi32>], vector<16xi32>, vector<16xi1>
        tpu.vector_store_idx %arg12[%add3A_128], %gather3A_110 masked %ge3A_129 : memref<3392xi32, #tpu.memory_space<vmem>>[vector<16xi32>], vector<16xi32>, vector<16xi1>
      }
      %while3A_122 = arith.constant 1 : i32
      scf.for %while3A_123 = %while3A_120 to %while3A_116 step %while3A_122  : i32 {
        %mul3A_124 = arith.constant 16 : i32
        %mul3A_125 = arith.muli %while3A_123, %mul3A_124 : i32
        %add3A_126 = arith.addi %and3A_111, %mul3A_125 : i32
        %add3A_127 = vector.broadcast %add3A_126 : i32 to vector<16xi32>
        %add3A_128 = arith.addi %add3A_127, %iota3A : vector<16xi32>
        %ge3A = vector.broadcast %reduce_max3A_67 : i32 to vector<16xi32>
        %ge3A_129 = arith.cmpi sge, %add3A_128, %ge3A : vector<16xi32>
        tpu.vector_store_idx %arg11[%add3A_128], %gather3A masked %ge3A_129 : memref<3392xi32, #tpu.memory_space<vmem>>[vector<16xi32>], vector<16xi32>, vector<16xi1>
        tpu.vector_store_idx %arg12[%add3A_128], %gather3A_110 masked %ge3A_129 : memref<3392xi32, #tpu.memory_space<vmem>>[vector<16xi32>], vector<16xi32>, vector<16xi1>
      }
    } else {
    }
    %add3A_86 = arith.constant 128 : i32
    %add3A_87 = arith.addi %reduce_max3A_67, %add3A_86 : i32
    %sub3A_88 = arith.constant 1 : i32
    %sub3A_89 = arith.subi %add3A_87, %sub3A_88 : i32
    %shift_right_logical3A_90 = arith.constant 7 : i32
    %shift_right_logical3A_91 = arith.shrui %sub3A_89, %shift_right_logical3A_90 : i32
    %while3A_92 = arith.constant 0 : i64
    %while3A_93 = arith.constant 0 : i32
    %while3A_94 = arith.subi %shift_right_logical3A_91, %while3A_93 : i32
    %while3A_95 = arith.addi %while3A_93, %while3A_94 : i32
    %while3A_96 = arith.constant 1 : i32
    %while3A_97 = arith.divsi %while3A_94, %while3A_96 : i32
    %while3A_98 = arith.muli %while3A_97, %while3A_96 : i32
    %while3A_99 = arith.addi %while3A_93, %while3A_98 : i32
    %while3A_100 = arith.constant 1 : i32
    scf.for %while3A_110 = %while3A_93 to %while3A_99 step %while3A_100  : i32 {
      %mul3A_111 = arith.constant 128 : i32
      %mul3A_112 = arith.muli %while3A_110, %mul3A_111 : i32
      %while3A_113 = arith.constant 0 : i64
      %while3A_114 = arith.constant 0 : i32
      %while3A_115 = arith.constant 8 : i32
      %while3A_116 = arith.subi %while3A_115, %while3A_114 : i32
      %while3A_117 = arith.addi %while3A_114, %while3A_116 : i32
      %while3A_118 = arith.constant 1 : i32
      %while3A_119 = arith.divsi %while3A_116, %while3A_118 : i32
      %while3A_120 = arith.muli %while3A_119, %while3A_118 : i32
      %while3A_121 = arith.addi %while3A_114, %while3A_120 : i32
      %while3A_122 = arith.constant 1 : i32
      scf.for %while3A_180 = %while3A_114 to %while3A_121 step %while3A_122  : i32 {
        %mul3A_181 = arith.constant 16 : i32
        %mul3A_182 = arith.muli %while3A_180, %mul3A_181 : i32
        %add3A_183 = arith.addi %mul3A_112, %mul3A_182 : i32
        %add3A_184 = vector.broadcast %add3A_183 : i32 to vector<16xi32>
        %add3A_185 = arith.addi %add3A_184, %iota3A : vector<16xi32>
        %gather3A = tpu.vector_load_idx %arg11[%add3A_185] : memref<3392xi32, #tpu.memory_space<vmem>>[vector<16xi32>], vector<16xi32>,
        %mul3A_186 = arith.constant 16 : i32
        %mul3A_187 = arith.muli %while3A_180, %mul3A_186 : i32
        %add3A_188 = vector.broadcast %mul3A_187 : i32 to vector<16xi32>
        %add3A_189 = arith.addi %add3A_188, %iota3A : vector<16xi32>
        tpu.vector_store_idx %arg13[%broadcast_in_dim3A_5, %add3A_189], %gather3A : memref<1x128xi32, #tpu.memory_space<vmem>>[vector<16xi32>, vector<16xi32>], vector<16xi32>,
      }
      %while3A_123 = arith.constant 1 : i32
      scf.for %while3A_180 = %while3A_121 to %while3A_117 step %while3A_123  : i32 {
        %mul3A_181 = arith.constant 16 : i32
        %mul3A_182 = arith.muli %while3A_180, %mul3A_181 : i32
        %add3A_183 = arith.addi %mul3A_112, %mul3A_182 : i32
        %add3A_184 = vector.broadcast %add3A_183 : i32 to vector<16xi32>
        %add3A_185 = arith.addi %add3A_184, %iota3A : vector<16xi32>
        %gather3A = tpu.vector_load_idx %arg11[%add3A_185] : memref<3392xi32, #tpu.memory_space<vmem>>[vector<16xi32>], vector<16xi32>,
        %mul3A_186 = arith.constant 16 : i32
        %mul3A_187 = arith.muli %while3A_180, %mul3A_186 : i32
        %add3A_188 = vector.broadcast %mul3A_187 : i32 to vector<16xi32>
        %add3A_189 = arith.addi %add3A_188, %iota3A : vector<16xi32>
        tpu.vector_store_idx %arg13[%broadcast_in_dim3A_5, %add3A_189], %gather3A : memref<1x128xi32, #tpu.memory_space<vmem>>[vector<16xi32>, vector<16xi32>], vector<16xi32>,
      }
      %dma_start3A = tpu.memref_slice %arg12[%mul3A_112] : memref<3392xi32, #tpu.memory_space<vmem>> -> memref<128xi32, #tpu.memory_space<vmem>>
      %dma_start3A_124 = arith.constant 0 : i32
      %dma_start3A_125 = arith.constant 0 : i32
      %dma_start3A_126 = tpu.memref_slice %arg2[%dma_start3A_124, %dma_start3A_125] : memref<16384x128xf32, #tpu.memory_space<hbm>> -> memref<16384x128xf32, #tpu.memory_space<hbm>>
      tpu.enqueue_indirect_dma source(%dma_start3A_126 : memref<16384x128xf32, #tpu.memory_space<hbm>>) target(%arg14 : memref<128x128xf32, #tpu.memory_space<vmem>>) offsets(%dma_start3A : memref<128xi32, #tpu.memory_space<vmem>>) semaphore(%arg18 : memref<!tpu.dma_semaphore, #tpu.memory_space<semaphore_mem>>)
      %dma_start3A_127 = arith.constant 0 : i32
      %dma_start3A_128 = arith.constant 0 : i32
      %dma_start3A_129 = tpu.memref_slice %arg13[%dma_start3A_127, %dma_start3A_128] : memref<1x128xi32, #tpu.memory_space<vmem>> -> memref<1x128xi32, #tpu.memory_space<vmem>>
      %dma_start3A_130 = tpu.memref_squeeze %dma_start3A_129 : memref<1x128xi32, #tpu.memory_space<vmem>> -> memref<128xi32, #tpu.memory_space<vmem>>
      %dma_start3A_131 = arith.constant 0 : i32
      %dma_start3A_132 = arith.constant 0 : i32
      %dma_start3A_133 = tpu.memref_slice %arg4[%dma_start3A_131, %dma_start3A_132] : memref<100000x128xf32, #tpu.memory_space<hbm>> -> memref<100000x128xf32, #tpu.memory_space<hbm>>
      tpu.enqueue_indirect_dma source(%dma_start3A_133 : memref<100000x128xf32, #tpu.memory_space<hbm>>) target(%arg15 : memref<128x128xf32, #tpu.memory_space<vmem>>) offsets(%dma_start3A_130 : memref<128xi32, #tpu.memory_space<vmem>>) semaphore(%arg19 : memref<!tpu.dma_semaphore, #tpu.memory_space<semaphore_mem>>)
      %dma_wait3A = tpu.memref_slice %arg12[%mul3A_112] : memref<3392xi32, #tpu.memory_space<vmem>> -> memref<128xi32, #tpu.memory_space<vmem>>
      %dma_wait3A_134 = arith.constant 0 : i32
      %dma_wait3A_135 = arith.constant 0 : i32
      %dma_wait3A_136 = tpu.memref_slice %arg2[%dma_wait3A_134, %dma_wait3A_135] : memref<16384x128xf32, #tpu.memory_space<hbm>> -> memref<16384x128xf32, #tpu.memory_space<hbm>>
      tpu.wait_indirect_dma semaphore(%arg18 : memref<!tpu.dma_semaphore, #tpu.memory_space<semaphore_mem>>) src(%dma_wait3A_136 : memref<16384x128xf32, #tpu.memory_space<hbm>>) dst(%arg14 : memref<128x128xf32, #tpu.memory_space<vmem>>)
      %dma_wait3A_137 = arith.constant 0 : i32
      %dma_wait3A_138 = arith.constant 0 : i32
      %dma_wait3A_139 = tpu.memref_slice %arg13[%dma_wait3A_137, %dma_wait3A_138] : memref<1x128xi32, #tpu.memory_space<vmem>> -> memref<1x128xi32, #tpu.memory_space<vmem>>
      %dma_wait3A_140 = tpu.memref_squeeze %dma_wait3A_139 : memref<1x128xi32, #tpu.memory_space<vmem>> -> memref<128xi32, #tpu.memory_space<vmem>>
      %dma_wait3A_141 = arith.constant 0 : i32
      %dma_wait3A_142 = arith.constant 0 : i32
      %dma_wait3A_143 = tpu.memref_slice %arg4[%dma_wait3A_141, %dma_wait3A_142] : memref<100000x128xf32, #tpu.memory_space<hbm>> -> memref<100000x128xf32, #tpu.memory_space<hbm>>
      tpu.wait_indirect_dma semaphore(%arg19 : memref<!tpu.dma_semaphore, #tpu.memory_space<semaphore_mem>>) src(%dma_wait3A_143 : memref<100000x128xf32, #tpu.memory_space<hbm>>) dst(%arg15 : memref<128x128xf32, #tpu.memory_space<vmem>>)
      %while3A_144 = arith.constant 0 : i64
      %while3A_145 = arith.constant 0 : i32
      %while3A_146 = arith.constant 8 : i32
      %while3A_147 = arith.subi %while3A_146, %while3A_145 : i32
      %while3A_148 = arith.addi %while3A_145, %while3A_147 : i32
      %while3A_149 = arith.constant 1 : i32
      %while3A_150 = arith.divsi %while3A_147, %while3A_149 : i32
      %while3A_151 = arith.muli %while3A_150, %while3A_149 : i32
      %while3A_152 = arith.addi %while3A_145, %while3A_151 : i32
      %while3A_153 = arith.constant 1 : i32
      scf.for %while3A_180 = %while3A_145 to %while3A_152 step %while3A_153  : i32 {
        %mul3A_181 = arith.constant 16 : i32
        %mul3A_182 = arith.muli %while3A_180, %mul3A_181 : i32
        %add3A_183 = vector.broadcast %mul3A_182 : i32 to vector<16xi32>
        %add3A_184 = arith.addi %add3A_183, %iota3A : vector<16xi32>
        %gather3A = tpu.vector_load_idx %arg13[%broadcast_in_dim3A_5, %add3A_184] : memref<1x128xi32, #tpu.memory_space<vmem>>[vector<16xi32>, vector<16xi32>], vector<16xi32>,
        %sub3A_185 = vector.broadcast %mul3A_2 : i32 to vector<16xi32>
        %sub3A_186 = arith.subi %gather3A, %sub3A_185 : vector<16xi32>
        %gather3A_187 = tpu.vector_load_idx %arg10[%sub3A_186] : memref<3128xi32, #tpu.memory_space<vmem>>[vector<16xi32>], vector<16xi32>,
        %convert_element_type3A_188 = arith.sitofp %gather3A_187 : vector<16xi32> to vector<16xf32>
        %div3A = arith.constant 1.000000e+00 : f32
        %div3A_189 = vector.broadcast %div3A : f32 to vector<16xf32>
        %div3A_190 = arith.divf %div3A_189, %convert_element_type3A_188 : vector<16xf32>
        tpu.vector_store_idx %arg17[%add3A_184], %div3A_190 : memref<128xf32, #tpu.memory_space<vmem>>[vector<16xi32>], vector<16xf32>,
      }
      %while3A_154 = arith.constant 1 : i32
      scf.for %while3A_180 = %while3A_152 to %while3A_148 step %while3A_154  : i32 {
        %mul3A_181 = arith.constant 16 : i32
        %mul3A_182 = arith.muli %while3A_180, %mul3A_181 : i32
        %add3A_183 = vector.broadcast %mul3A_182 : i32 to vector<16xi32>
        %add3A_184 = arith.addi %add3A_183, %iota3A : vector<16xi32>
        %gather3A = tpu.vector_load_idx %arg13[%broadcast_in_dim3A_5, %add3A_184] : memref<1x128xi32, #tpu.memory_space<vmem>>[vector<16xi32>, vector<16xi32>], vector<16xi32>,
        %sub3A_185 = vector.broadcast %mul3A_2 : i32 to vector<16xi32>
        %sub3A_186 = arith.subi %gather3A, %sub3A_185 : vector<16xi32>
        %gather3A_187 = tpu.vector_load_idx %arg10[%sub3A_186] : memref<3128xi32, #tpu.memory_space<vmem>>[vector<16xi32>], vector<16xi32>,
        %convert_element_type3A_188 = arith.sitofp %gather3A_187 : vector<16xi32> to vector<16xf32>
        %div3A = arith.constant 1.000000e+00 : f32
        %div3A_189 = vector.broadcast %div3A : f32 to vector<16xf32>
        %div3A_190 = arith.divf %div3A_189, %convert_element_type3A_188 : vector<16xf32>
        tpu.vector_store_idx %arg17[%add3A_184], %div3A_190 : memref<128xf32, #tpu.memory_space<vmem>>[vector<16xi32>], vector<16xf32>,
      }
      %while3A_155 = arith.constant 0 : i64
      %while3A_156 = arith.constant 0 : i32
      %while3A_157 = arith.constant 128 : i32
      %while3A_158 = arith.subi %while3A_157, %while3A_156 : i32
      %while3A_159 = arith.addi %while3A_156, %while3A_158 : i32
      %while3A_160 = arith.constant 1 : i32
      %while3A_161 = arith.divsi %while3A_158, %while3A_160 : i32
      %while3A_162 = arith.muli %while3A_161, %while3A_160 : i32
      %while3A_163 = arith.addi %while3A_156, %while3A_162 : i32
      %while3A_164 = arith.constant 1 : i32
      scf.for %while3A_180 = %while3A_156 to %while3A_163 step %while3A_164  : i32 {
        %broadcast_in_dim3A_181 = vector.broadcast %while3A_180 : i32 to vector<16xi32>
        %gather3A = tpu.vector_load_idx %arg17[%broadcast_in_dim3A_181] : memref<128xf32, #tpu.memory_space<vmem>>[vector<16xi32>], vector<16xf32>,
        %add3A_182 = arith.constant 0 : i32
        %add3A_183 = vector.broadcast %add3A_182 : i32 to vector<16xi32>
        %add3A_184 = arith.addi %add3A_183, %iota3A : vector<16xi32>
        %gather3A_185 = tpu.vector_load_idx %arg14[%broadcast_in_dim3A_181, %add3A_184] : memref<128x128xf32, #tpu.memory_space<vmem>>[vector<16xi32>, vector<16xi32>], vector<16xf32>,
        %gather3A_186 = tpu.vector_load_idx %arg15[%broadcast_in_dim3A_181, %add3A_184] : memref<128x128xf32, #tpu.memory_space<vmem>>[vector<16xi32>, vector<16xi32>], vector<16xf32>,
        %sub3A_187 = arith.subf %gather3A_185, %gather3A_186 : vector<16xf32>
        %mul3A_188 = arith.mulf %sub3A_187, %gather3A : vector<16xf32>
        %add3A_189 = arith.addf %gather3A_186, %mul3A_188 : vector<16xf32>
        tpu.vector_store_idx %arg16[%broadcast_in_dim3A_181, %add3A_184], %add3A_189 : memref<128x128xf32, #tpu.memory_space<vmem>>[vector<16xi32>, vector<16xi32>], vector<16xf32>,
        %add3A_190 = arith.constant 16 : i32
        %add3A_191 = vector.broadcast %add3A_190 : i32 to vector<16xi32>
        %add3A_192 = arith.addi %add3A_191, %iota3A : vector<16xi32>
        %gather3A_193 = tpu.vector_load_idx %arg14[%broadcast_in_dim3A_181, %add3A_192] : memref<128x128xf32, #tpu.memory_space<vmem>>[vector<16xi32>, vector<16xi32>], vector<16xf32>,
        %gather3A_194 = tpu.vector_load_idx %arg15[%broadcast_in_dim3A_181, %add3A_192] : memref<128x128xf32, #tpu.memory_space<vmem>>[vector<16xi32>, vector<16xi32>], vector<16xf32>,
        %sub3A_195 = arith.subf %gather3A_193, %gather3A_194 : vector<16xf32>
        %mul3A_196 = arith.mulf %sub3A_195, %gather3A : vector<16xf32>
        %add3A_197 = arith.addf %gather3A_194, %mul3A_196 : vector<16xf32>
        tpu.vector_store_idx %arg16[%broadcast_in_dim3A_181, %add3A_192], %add3A_197 : memref<128x128xf32, #tpu.memory_space<vmem>>[vector<16xi32>, vector<16xi32>], vector<16xf32>,
        %add3A_198 = arith.constant 32 : i32
        %add3A_199 = vector.broadcast %add3A_198 : i32 to vector<16xi32>
        %add3A_200 = arith.addi %add3A_199, %iota3A : vector<16xi32>
        %gather3A_201 = tpu.vector_load_idx %arg14[%broadcast_in_dim3A_181, %add3A_200] : memref<128x128xf32, #tpu.memory_space<vmem>>[vector<16xi32>, vector<16xi32>], vector<16xf32>,
        %gather3A_202 = tpu.vector_load_idx %arg15[%broadcast_in_dim3A_181, %add3A_200] : memref<128x128xf32, #tpu.memory_space<vmem>>[vector<16xi32>, vector<16xi32>], vector<16xf32>,
        %sub3A_203 = arith.subf %gather3A_201, %gather3A_202 : vector<16xf32>
        %mul3A_204 = arith.mulf %sub3A_203, %gather3A : vector<16xf32>
        %add3A_205 = arith.addf %gather3A_202, %mul3A_204 : vector<16xf32>
        tpu.vector_store_idx %arg16[%broadcast_in_dim3A_181, %add3A_200], %add3A_205 : memref<128x128xf32, #tpu.memory_space<vmem>>[vector<16xi32>, vector<16xi32>], vector<16xf32>,
        %add3A_206 = arith.constant 48 : i32
        %add3A_207 = vector.broadcast %add3A_206 : i32 to vector<16xi32>
        %add3A_208 = arith.addi %add3A_207, %iota3A : vector<16xi32>
        %gather3A_209 = tpu.vector_load_idx %arg14[%broadcast_in_dim3A_181, %add3A_208] : memref<128x128xf32, #tpu.memory_space<vmem>>[vector<16xi32>, vector<16xi32>], vector<16xf32>,
        %gather3A_210 = tpu.vector_load_idx %arg15[%broadcast_in_dim3A_181, %add3A_208] : memref<128x128xf32, #tpu.memory_space<vmem>>[vector<16xi32>, vector<16xi32>], vector<16xf32>,
        %sub3A_211 = arith.subf %gather3A_209, %gather3A_210 : vector<16xf32>
        %mul3A_212 = arith.mulf %sub3A_211, %gather3A : vector<16xf32>
        %add3A_213 = arith.addf %gather3A_210, %mul3A_212 : vector<16xf32>
        tpu.vector_store_idx %arg16[%broadcast_in_dim3A_181, %add3A_208], %add3A_213 : memref<128x128xf32, #tpu.memory_space<vmem>>[vector<16xi32>, vector<16xi32>], vector<16xf32>,
        %add3A_214 = arith.constant 64 : i32
        %add3A_215 = vector.broadcast %add3A_214 : i32 to vector<16xi32>
        %add3A_216 = arith.addi %add3A_215, %iota3A : vector<16xi32>
        %gather3A_217 = tpu.vector_load_idx %arg14[%broadcast_in_dim3A_181, %add3A_216] : memref<128x128xf32, #tpu.memory_space<vmem>>[vector<16xi32>, vector<16xi32>], vector<16xf32>,
        %gather3A_218 = tpu.vector_load_idx %arg15[%broadcast_in_dim3A_181, %add3A_216] : memref<128x128xf32, #tpu.memory_space<vmem>>[vector<16xi32>, vector<16xi32>], vector<16xf32>,
        %sub3A_219 = arith.subf %gather3A_217, %gather3A_218 : vector<16xf32>
        %mul3A_220 = arith.mulf %sub3A_219, %gather3A : vector<16xf32>
        %add3A_221 = arith.addf %gather3A_218, %mul3A_220 : vector<16xf32>
        tpu.vector_store_idx %arg16[%broadcast_in_dim3A_181, %add3A_216], %add3A_221 : memref<128x128xf32, #tpu.memory_space<vmem>>[vector<16xi32>, vector<16xi32>], vector<16xf32>,
        %add3A_222 = arith.constant 80 : i32
        %add3A_223 = vector.broadcast %add3A_222 : i32 to vector<16xi32>
        %add3A_224 = arith.addi %add3A_223, %iota3A : vector<16xi32>
        %gather3A_225 = tpu.vector_load_idx %arg14[%broadcast_in_dim3A_181, %add3A_224] : memref<128x128xf32, #tpu.memory_space<vmem>>[vector<16xi32>, vector<16xi32>], vector<16xf32>,
        %gather3A_226 = tpu.vector_load_idx %arg15[%broadcast_in_dim3A_181, %add3A_224] : memref<128x128xf32, #tpu.memory_space<vmem>>[vector<16xi32>, vector<16xi32>], vector<16xf32>,
        %sub3A_227 = arith.subf %gather3A_225, %gather3A_226 : vector<16xf32>
        %mul3A_228 = arith.mulf %sub3A_227, %gather3A : vector<16xf32>
        %add3A_229 = arith.addf %gather3A_226, %mul3A_228 : vector<16xf32>
        tpu.vector_store_idx %arg16[%broadcast_in_dim3A_181, %add3A_224], %add3A_229 : memref<128x128xf32, #tpu.memory_space<vmem>>[vector<16xi32>, vector<16xi32>], vector<16xf32>,
        %add3A_230 = arith.constant 96 : i32
        %add3A_231 = vector.broadcast %add3A_230 : i32 to vector<16xi32>
        %add3A_232 = arith.addi %add3A_231, %iota3A : vector<16xi32>
        %gather3A_233 = tpu.vector_load_idx %arg14[%broadcast_in_dim3A_181, %add3A_232] : memref<128x128xf32, #tpu.memory_space<vmem>>[vector<16xi32>, vector<16xi32>], vector<16xf32>,
        %gather3A_234 = tpu.vector_load_idx %arg15[%broadcast_in_dim3A_181, %add3A_232] : memref<128x128xf32, #tpu.memory_space<vmem>>[vector<16xi32>, vector<16xi32>], vector<16xf32>,
        %sub3A_235 = arith.subf %gather3A_233, %gather3A_234 : vector<16xf32>
        %mul3A_236 = arith.mulf %sub3A_235, %gather3A : vector<16xf32>
        %add3A_237 = arith.addf %gather3A_234, %mul3A_236 : vector<16xf32>
        tpu.vector_store_idx %arg16[%broadcast_in_dim3A_181, %add3A_232], %add3A_237 : memref<128x128xf32, #tpu.memory_space<vmem>>[vector<16xi32>, vector<16xi32>], vector<16xf32>,
        %add3A_238 = arith.constant 112 : i32
        %add3A_239 = vector.broadcast %add3A_238 : i32 to vector<16xi32>
        %add3A_240 = arith.addi %add3A_239, %iota3A : vector<16xi32>
        %gather3A_241 = tpu.vector_load_idx %arg14[%broadcast_in_dim3A_181, %add3A_240] : memref<128x128xf32, #tpu.memory_space<vmem>>[vector<16xi32>, vector<16xi32>], vector<16xf32>,
        %gather3A_242 = tpu.vector_load_idx %arg15[%broadcast_in_dim3A_181, %add3A_240] : memref<128x128xf32, #tpu.memory_space<vmem>>[vector<16xi32>, vector<16xi32>], vector<16xf32>,
        %sub3A_243 = arith.subf %gather3A_241, %gather3A_242 : vector<16xf32>
        %mul3A_244 = arith.mulf %sub3A_243, %gather3A : vector<16xf32>
        %add3A_245 = arith.addf %gather3A_242, %mul3A_244 : vector<16xf32>
        tpu.vector_store_idx %arg16[%broadcast_in_dim3A_181, %add3A_240], %add3A_245 : memref<128x128xf32, #tpu.memory_space<vmem>>[vector<16xi32>, vector<16xi32>], vector<16xf32>,
      }
      %while3A_165 = arith.constant 1 : i32
      scf.for %while3A_180 = %while3A_163 to %while3A_159 step %while3A_165  : i32 {
        %broadcast_in_dim3A_181 = vector.broadcast %while3A_180 : i32 to vector<16xi32>
        %gather3A = tpu.vector_load_idx %arg17[%broadcast_in_dim3A_181] : memref<128xf32, #tpu.memory_space<vmem>>[vector<16xi32>], vector<16xf32>,
        %add3A_182 = arith.constant 0 : i32
        %add3A_183 = vector.broadcast %add3A_182 : i32 to vector<16xi32>
        %add3A_184 = arith.addi %add3A_183, %iota3A : vector<16xi32>
        %gather3A_185 = tpu.vector_load_idx %arg14[%broadcast_in_dim3A_181, %add3A_184] : memref<128x128xf32, #tpu.memory_space<vmem>>[vector<16xi32>, vector<16xi32>], vector<16xf32>,
        %gather3A_186 = tpu.vector_load_idx %arg15[%broadcast_in_dim3A_181, %add3A_184] : memref<128x128xf32, #tpu.memory_space<vmem>>[vector<16xi32>, vector<16xi32>], vector<16xf32>,
        %sub3A_187 = arith.subf %gather3A_185, %gather3A_186 : vector<16xf32>
        %mul3A_188 = arith.mulf %sub3A_187, %gather3A : vector<16xf32>
        %add3A_189 = arith.addf %gather3A_186, %mul3A_188 : vector<16xf32>
        tpu.vector_store_idx %arg16[%broadcast_in_dim3A_181, %add3A_184], %add3A_189 : memref<128x128xf32, #tpu.memory_space<vmem>>[vector<16xi32>, vector<16xi32>], vector<16xf32>,
        %add3A_190 = arith.constant 16 : i32
        %add3A_191 = vector.broadcast %add3A_190 : i32 to vector<16xi32>
        %add3A_192 = arith.addi %add3A_191, %iota3A : vector<16xi32>
        %gather3A_193 = tpu.vector_load_idx %arg14[%broadcast_in_dim3A_181, %add3A_192] : memref<128x128xf32, #tpu.memory_space<vmem>>[vector<16xi32>, vector<16xi32>], vector<16xf32>,
        %gather3A_194 = tpu.vector_load_idx %arg15[%broadcast_in_dim3A_181, %add3A_192] : memref<128x128xf32, #tpu.memory_space<vmem>>[vector<16xi32>, vector<16xi32>], vector<16xf32>,
        %sub3A_195 = arith.subf %gather3A_193, %gather3A_194 : vector<16xf32>
        %mul3A_196 = arith.mulf %sub3A_195, %gather3A : vector<16xf32>
        %add3A_197 = arith.addf %gather3A_194, %mul3A_196 : vector<16xf32>
        tpu.vector_store_idx %arg16[%broadcast_in_dim3A_181, %add3A_192], %add3A_197 : memref<128x128xf32, #tpu.memory_space<vmem>>[vector<16xi32>, vector<16xi32>], vector<16xf32>,
        %add3A_198 = arith.constant 32 : i32
        %add3A_199 = vector.broadcast %add3A_198 : i32 to vector<16xi32>
        %add3A_200 = arith.addi %add3A_199, %iota3A : vector<16xi32>
        %gather3A_201 = tpu.vector_load_idx %arg14[%broadcast_in_dim3A_181, %add3A_200] : memref<128x128xf32, #tpu.memory_space<vmem>>[vector<16xi32>, vector<16xi32>], vector<16xf32>,
        %gather3A_202 = tpu.vector_load_idx %arg15[%broadcast_in_dim3A_181, %add3A_200] : memref<128x128xf32, #tpu.memory_space<vmem>>[vector<16xi32>, vector<16xi32>], vector<16xf32>,
        %sub3A_203 = arith.subf %gather3A_201, %gather3A_202 : vector<16xf32>
        %mul3A_204 = arith.mulf %sub3A_203, %gather3A : vector<16xf32>
        %add3A_205 = arith.addf %gather3A_202, %mul3A_204 : vector<16xf32>
        tpu.vector_store_idx %arg16[%broadcast_in_dim3A_181, %add3A_200], %add3A_205 : memref<128x128xf32, #tpu.memory_space<vmem>>[vector<16xi32>, vector<16xi32>], vector<16xf32>,
        %add3A_206 = arith.constant 48 : i32
        %add3A_207 = vector.broadcast %add3A_206 : i32 to vector<16xi32>
        %add3A_208 = arith.addi %add3A_207, %iota3A : vector<16xi32>
        %gather3A_209 = tpu.vector_load_idx %arg14[%broadcast_in_dim3A_181, %add3A_208] : memref<128x128xf32, #tpu.memory_space<vmem>>[vector<16xi32>, vector<16xi32>], vector<16xf32>,
        %gather3A_210 = tpu.vector_load_idx %arg15[%broadcast_in_dim3A_181, %add3A_208] : memref<128x128xf32, #tpu.memory_space<vmem>>[vector<16xi32>, vector<16xi32>], vector<16xf32>,
        %sub3A_211 = arith.subf %gather3A_209, %gather3A_210 : vector<16xf32>
        %mul3A_212 = arith.mulf %sub3A_211, %gather3A : vector<16xf32>
        %add3A_213 = arith.addf %gather3A_210, %mul3A_212 : vector<16xf32>
        tpu.vector_store_idx %arg16[%broadcast_in_dim3A_181, %add3A_208], %add3A_213 : memref<128x128xf32, #tpu.memory_space<vmem>>[vector<16xi32>, vector<16xi32>], vector<16xf32>,
        %add3A_214 = arith.constant 64 : i32
        %add3A_215 = vector.broadcast %add3A_214 : i32 to vector<16xi32>
        %add3A_216 = arith.addi %add3A_215, %iota3A : vector<16xi32>
        %gather3A_217 = tpu.vector_load_idx %arg14[%broadcast_in_dim3A_181, %add3A_216] : memref<128x128xf32, #tpu.memory_space<vmem>>[vector<16xi32>, vector<16xi32>], vector<16xf32>,
        %gather3A_218 = tpu.vector_load_idx %arg15[%broadcast_in_dim3A_181, %add3A_216] : memref<128x128xf32, #tpu.memory_space<vmem>>[vector<16xi32>, vector<16xi32>], vector<16xf32>,
        %sub3A_219 = arith.subf %gather3A_217, %gather3A_218 : vector<16xf32>
        %mul3A_220 = arith.mulf %sub3A_219, %gather3A : vector<16xf32>
        %add3A_221 = arith.addf %gather3A_218, %mul3A_220 : vector<16xf32>
        tpu.vector_store_idx %arg16[%broadcast_in_dim3A_181, %add3A_216], %add3A_221 : memref<128x128xf32, #tpu.memory_space<vmem>>[vector<16xi32>, vector<16xi32>], vector<16xf32>,
        %add3A_222 = arith.constant 80 : i32
        %add3A_223 = vector.broadcast %add3A_222 : i32 to vector<16xi32>
        %add3A_224 = arith.addi %add3A_223, %iota3A : vector<16xi32>
        %gather3A_225 = tpu.vector_load_idx %arg14[%broadcast_in_dim3A_181, %add3A_224] : memref<128x128xf32, #tpu.memory_space<vmem>>[vector<16xi32>, vector<16xi32>], vector<16xf32>,
        %gather3A_226 = tpu.vector_load_idx %arg15[%broadcast_in_dim3A_181, %add3A_224] : memref<128x128xf32, #tpu.memory_space<vmem>>[vector<16xi32>, vector<16xi32>], vector<16xf32>,
        %sub3A_227 = arith.subf %gather3A_225, %gather3A_226 : vector<16xf32>
        %mul3A_228 = arith.mulf %sub3A_227, %gather3A : vector<16xf32>
        %add3A_229 = arith.addf %gather3A_226, %mul3A_228 : vector<16xf32>
        tpu.vector_store_idx %arg16[%broadcast_in_dim3A_181, %add3A_224], %add3A_229 : memref<128x128xf32, #tpu.memory_space<vmem>>[vector<16xi32>, vector<16xi32>], vector<16xf32>,
        %add3A_230 = arith.constant 96 : i32
        %add3A_231 = vector.broadcast %add3A_230 : i32 to vector<16xi32>
        %add3A_232 = arith.addi %add3A_231, %iota3A : vector<16xi32>
        %gather3A_233 = tpu.vector_load_idx %arg14[%broadcast_in_dim3A_181, %add3A_232] : memref<128x128xf32, #tpu.memory_space<vmem>>[vector<16xi32>, vector<16xi32>], vector<16xf32>,
        %gather3A_234 = tpu.vector_load_idx %arg15[%broadcast_in_dim3A_181, %add3A_232] : memref<128x128xf32, #tpu.memory_space<vmem>>[vector<16xi32>, vector<16xi32>], vector<16xf32>,
        %sub3A_235 = arith.subf %gather3A_233, %gather3A_234 : vector<16xf32>
        %mul3A_236 = arith.mulf %sub3A_235, %gather3A : vector<16xf32>
        %add3A_237 = arith.addf %gather3A_234, %mul3A_236 : vector<16xf32>
        tpu.vector_store_idx %arg16[%broadcast_in_dim3A_181, %add3A_232], %add3A_237 : memref<128x128xf32, #tpu.memory_space<vmem>>[vector<16xi32>, vector<16xi32>], vector<16xf32>,
        %add3A_238 = arith.constant 112 : i32
        %add3A_239 = vector.broadcast %add3A_238 : i32 to vector<16xi32>
        %add3A_240 = arith.addi %add3A_239, %iota3A : vector<16xi32>
        %gather3A_241 = tpu.vector_load_idx %arg14[%broadcast_in_dim3A_181, %add3A_240] : memref<128x128xf32, #tpu.memory_space<vmem>>[vector<16xi32>, vector<16xi32>], vector<16xf32>,
        %gather3A_242 = tpu.vector_load_idx %arg15[%broadcast_in_dim3A_181, %add3A_240] : memref<128x128xf32, #tpu.memory_space<vmem>>[vector<16xi32>, vector<16xi32>], vector<16xf32>,
        %sub3A_243 = arith.subf %gather3A_241, %gather3A_242 : vector<16xf32>
        %mul3A_244 = arith.mulf %sub3A_243, %gather3A : vector<16xf32>
        %add3A_245 = arith.addf %gather3A_242, %mul3A_244 : vector<16xf32>
        tpu.vector_store_idx %arg16[%broadcast_in_dim3A_181, %add3A_240], %add3A_245 : memref<128x128xf32, #tpu.memory_space<vmem>>[vector<16xi32>, vector<16xi32>], vector<16xf32>,
      }
      %dma_start3A_166 = arith.constant 0 : i32
      %dma_start3A_167 = arith.constant 0 : i32
      %dma_start3A_168 = tpu.memref_slice %arg13[%dma_start3A_166, %dma_start3A_167] : memref<1x128xi32, #tpu.memory_space<vmem>> -> memref<1x128xi32, #tpu.memory_space<vmem>>
      %dma_start3A_169 = tpu.memref_squeeze %dma_start3A_168 : memref<1x128xi32, #tpu.memory_space<vmem>> -> memref<128xi32, #tpu.memory_space<vmem>>
      %dma_start3A_170 = arith.constant 0 : i32
      %dma_start3A_171 = arith.constant 0 : i32
      %dma_start3A_172 = tpu.memref_slice %arg6[%dma_start3A_170, %dma_start3A_171] : memref<100000x128xf32, #tpu.memory_space<hbm>> -> memref<100000x128xf32, #tpu.memory_space<hbm>>
      tpu.enqueue_indirect_dma source(%arg16 : memref<128x128xf32, #tpu.memory_space<vmem>>) target(%dma_start3A_172 : memref<100000x128xf32, #tpu.memory_space<hbm>>) offsets(%dma_start3A_169 : memref<128xi32, #tpu.memory_space<vmem>>) semaphore(%arg20 : memref<!tpu.dma_semaphore, #tpu.memory_space<semaphore_mem>>)
      %dma_wait3A_173 = arith.constant 0 : i32
      %dma_wait3A_174 = arith.constant 0 : i32
      %dma_wait3A_175 = tpu.memref_slice %arg13[%dma_wait3A_173, %dma_wait3A_174] : memref<1x128xi32, #tpu.memory_space<vmem>> -> memref<1x128xi32, #tpu.memory_space<vmem>>
      %dma_wait3A_176 = tpu.memref_squeeze %dma_wait3A_175 : memref<1x128xi32, #tpu.memory_space<vmem>> -> memref<128xi32, #tpu.memory_space<vmem>>
      %dma_wait3A_177 = arith.constant 0 : i32
      %dma_wait3A_178 = arith.constant 0 : i32
      %dma_wait3A_179 = tpu.memref_slice %arg6[%dma_wait3A_177, %dma_wait3A_178] : memref<100000x128xf32, #tpu.memory_space<hbm>> -> memref<100000x128xf32, #tpu.memory_space<hbm>>
      tpu.wait_indirect_dma semaphore(%arg20 : memref<!tpu.dma_semaphore, #tpu.memory_space<semaphore_mem>>) src(%arg16 : memref<128x128xf32, #tpu.memory_space<vmem>>) dst(%dma_wait3A_179 : memref<100000x128xf32, #tpu.memory_space<hbm>>)
    }
    %while3A_101 = arith.constant 1 : i32
    scf.for %while3A_110 = %while3A_99 to %while3A_95 step %while3A_101  : i32 {
      %mul3A_111 = arith.constant 128 : i32
      %mul3A_112 = arith.muli %while3A_110, %mul3A_111 : i32
      %while3A_113 = arith.constant 0 : i64
      %while3A_114 = arith.constant 0 : i32
      %while3A_115 = arith.constant 8 : i32
      %while3A_116 = arith.subi %while3A_115, %while3A_114 : i32
      %while3A_117 = arith.addi %while3A_114, %while3A_116 : i32
      %while3A_118 = arith.constant 1 : i32
      %while3A_119 = arith.divsi %while3A_116, %while3A_118 : i32
      %while3A_120 = arith.muli %while3A_119, %while3A_118 : i32
      %while3A_121 = arith.addi %while3A_114, %while3A_120 : i32
      %while3A_122 = arith.constant 1 : i32
      scf.for %while3A_180 = %while3A_114 to %while3A_121 step %while3A_122  : i32 {
        %mul3A_181 = arith.constant 16 : i32
        %mul3A_182 = arith.muli %while3A_180, %mul3A_181 : i32
        %add3A_183 = arith.addi %mul3A_112, %mul3A_182 : i32
        %add3A_184 = vector.broadcast %add3A_183 : i32 to vector<16xi32>
        %add3A_185 = arith.addi %add3A_184, %iota3A : vector<16xi32>
        %gather3A = tpu.vector_load_idx %arg11[%add3A_185] : memref<3392xi32, #tpu.memory_space<vmem>>[vector<16xi32>], vector<16xi32>,
        %mul3A_186 = arith.constant 16 : i32
        %mul3A_187 = arith.muli %while3A_180, %mul3A_186 : i32
        %add3A_188 = vector.broadcast %mul3A_187 : i32 to vector<16xi32>
        %add3A_189 = arith.addi %add3A_188, %iota3A : vector<16xi32>
        tpu.vector_store_idx %arg13[%broadcast_in_dim3A_5, %add3A_189], %gather3A : memref<1x128xi32, #tpu.memory_space<vmem>>[vector<16xi32>, vector<16xi32>], vector<16xi32>,
      }
      %while3A_123 = arith.constant 1 : i32
      scf.for %while3A_180 = %while3A_121 to %while3A_117 step %while3A_123  : i32 {
        %mul3A_181 = arith.constant 16 : i32
        %mul3A_182 = arith.muli %while3A_180, %mul3A_181 : i32
        %add3A_183 = arith.addi %mul3A_112, %mul3A_182 : i32
        %add3A_184 = vector.broadcast %add3A_183 : i32 to vector<16xi32>
        %add3A_185 = arith.addi %add3A_184, %iota3A : vector<16xi32>
        %gather3A = tpu.vector_load_idx %arg11[%add3A_185] : memref<3392xi32, #tpu.memory_space<vmem>>[vector<16xi32>], vector<16xi32>,
        %mul3A_186 = arith.constant 16 : i32
        %mul3A_187 = arith.muli %while3A_180, %mul3A_186 : i32
        %add3A_188 = vector.broadcast %mul3A_187 : i32 to vector<16xi32>
        %add3A_189 = arith.addi %add3A_188, %iota3A : vector<16xi32>
        tpu.vector_store_idx %arg13[%broadcast_in_dim3A_5, %add3A_189], %gather3A : memref<1x128xi32, #tpu.memory_space<vmem>>[vector<16xi32>, vector<16xi32>], vector<16xi32>,
      }
      %dma_start3A = tpu.memref_slice %arg12[%mul3A_112] : memref<3392xi32, #tpu.memory_space<vmem>> -> memref<128xi32, #tpu.memory_space<vmem>>
      %dma_start3A_124 = arith.constant 0 : i32
      %dma_start3A_125 = arith.constant 0 : i32
      %dma_start3A_126 = tpu.memref_slice %arg2[%dma_start3A_124, %dma_start3A_125] : memref<16384x128xf32, #tpu.memory_space<hbm>> -> memref<16384x128xf32, #tpu.memory_space<hbm>>
      tpu.enqueue_indirect_dma source(%dma_start3A_126 : memref<16384x128xf32, #tpu.memory_space<hbm>>) target(%arg14 : memref<128x128xf32, #tpu.memory_space<vmem>>) offsets(%dma_start3A : memref<128xi32, #tpu.memory_space<vmem>>) semaphore(%arg18 : memref<!tpu.dma_semaphore, #tpu.memory_space<semaphore_mem>>)
      %dma_start3A_127 = arith.constant 0 : i32
      %dma_start3A_128 = arith.constant 0 : i32
      %dma_start3A_129 = tpu.memref_slice %arg13[%dma_start3A_127, %dma_start3A_128] : memref<1x128xi32, #tpu.memory_space<vmem>> -> memref<1x128xi32, #tpu.memory_space<vmem>>
      %dma_start3A_130 = tpu.memref_squeeze %dma_start3A_129 : memref<1x128xi32, #tpu.memory_space<vmem>> -> memref<128xi32, #tpu.memory_space<vmem>>
      %dma_start3A_131 = arith.constant 0 : i32
      %dma_start3A_132 = arith.constant 0 : i32
      %dma_start3A_133 = tpu.memref_slice %arg4[%dma_start3A_131, %dma_start3A_132] : memref<100000x128xf32, #tpu.memory_space<hbm>> -> memref<100000x128xf32, #tpu.memory_space<hbm>>
      tpu.enqueue_indirect_dma source(%dma_start3A_133 : memref<100000x128xf32, #tpu.memory_space<hbm>>) target(%arg15 : memref<128x128xf32, #tpu.memory_space<vmem>>) offsets(%dma_start3A_130 : memref<128xi32, #tpu.memory_space<vmem>>) semaphore(%arg19 : memref<!tpu.dma_semaphore, #tpu.memory_space<semaphore_mem>>)
      %dma_wait3A = tpu.memref_slice %arg12[%mul3A_112] : memref<3392xi32, #tpu.memory_space<vmem>> -> memref<128xi32, #tpu.memory_space<vmem>>
      %dma_wait3A_134 = arith.constant 0 : i32
      %dma_wait3A_135 = arith.constant 0 : i32
      %dma_wait3A_136 = tpu.memref_slice %arg2[%dma_wait3A_134, %dma_wait3A_135] : memref<16384x128xf32, #tpu.memory_space<hbm>> -> memref<16384x128xf32, #tpu.memory_space<hbm>>
      tpu.wait_indirect_dma semaphore(%arg18 : memref<!tpu.dma_semaphore, #tpu.memory_space<semaphore_mem>>) src(%dma_wait3A_136 : memref<16384x128xf32, #tpu.memory_space<hbm>>) dst(%arg14 : memref<128x128xf32, #tpu.memory_space<vmem>>)
      %dma_wait3A_137 = arith.constant 0 : i32
      %dma_wait3A_138 = arith.constant 0 : i32
      %dma_wait3A_139 = tpu.memref_slice %arg13[%dma_wait3A_137, %dma_wait3A_138] : memref<1x128xi32, #tpu.memory_space<vmem>> -> memref<1x128xi32, #tpu.memory_space<vmem>>
      %dma_wait3A_140 = tpu.memref_squeeze %dma_wait3A_139 : memref<1x128xi32, #tpu.memory_space<vmem>> -> memref<128xi32, #tpu.memory_space<vmem>>
      %dma_wait3A_141 = arith.constant 0 : i32
      %dma_wait3A_142 = arith.constant 0 : i32
      %dma_wait3A_143 = tpu.memref_slice %arg4[%dma_wait3A_141, %dma_wait3A_142] : memref<100000x128xf32, #tpu.memory_space<hbm>> -> memref<100000x128xf32, #tpu.memory_space<hbm>>
      tpu.wait_indirect_dma semaphore(%arg19 : memref<!tpu.dma_semaphore, #tpu.memory_space<semaphore_mem>>) src(%dma_wait3A_143 : memref<100000x128xf32, #tpu.memory_space<hbm>>) dst(%arg15 : memref<128x128xf32, #tpu.memory_space<vmem>>)
      %while3A_144 = arith.constant 0 : i64
      %while3A_145 = arith.constant 0 : i32
      %while3A_146 = arith.constant 8 : i32
      %while3A_147 = arith.subi %while3A_146, %while3A_145 : i32
      %while3A_148 = arith.addi %while3A_145, %while3A_147 : i32
      %while3A_149 = arith.constant 1 : i32
      %while3A_150 = arith.divsi %while3A_147, %while3A_149 : i32
      %while3A_151 = arith.muli %while3A_150, %while3A_149 : i32
      %while3A_152 = arith.addi %while3A_145, %while3A_151 : i32
      %while3A_153 = arith.constant 1 : i32
      scf.for %while3A_180 = %while3A_145 to %while3A_152 step %while3A_153  : i32 {
        %mul3A_181 = arith.constant 16 : i32
        %mul3A_182 = arith.muli %while3A_180, %mul3A_181 : i32
        %add3A_183 = vector.broadcast %mul3A_182 : i32 to vector<16xi32>
        %add3A_184 = arith.addi %add3A_183, %iota3A : vector<16xi32>
        %gather3A = tpu.vector_load_idx %arg13[%broadcast_in_dim3A_5, %add3A_184] : memref<1x128xi32, #tpu.memory_space<vmem>>[vector<16xi32>, vector<16xi32>], vector<16xi32>,
        %sub3A_185 = vector.broadcast %mul3A_2 : i32 to vector<16xi32>
        %sub3A_186 = arith.subi %gather3A, %sub3A_185 : vector<16xi32>
        %gather3A_187 = tpu.vector_load_idx %arg10[%sub3A_186] : memref<3128xi32, #tpu.memory_space<vmem>>[vector<16xi32>], vector<16xi32>,
        %convert_element_type3A_188 = arith.sitofp %gather3A_187 : vector<16xi32> to vector<16xf32>
        %div3A = arith.constant 1.000000e+00 : f32
        %div3A_189 = vector.broadcast %div3A : f32 to vector<16xf32>
        %div3A_190 = arith.divf %div3A_189, %convert_element_type3A_188 : vector<16xf32>
        tpu.vector_store_idx %arg17[%add3A_184], %div3A_190 : memref<128xf32, #tpu.memory_space<vmem>>[vector<16xi32>], vector<16xf32>,
      }
      %while3A_154 = arith.constant 1 : i32
      scf.for %while3A_180 = %while3A_152 to %while3A_148 step %while3A_154  : i32 {
        %mul3A_181 = arith.constant 16 : i32
        %mul3A_182 = arith.muli %while3A_180, %mul3A_181 : i32
        %add3A_183 = vector.broadcast %mul3A_182 : i32 to vector<16xi32>
        %add3A_184 = arith.addi %add3A_183, %iota3A : vector<16xi32>
        %gather3A = tpu.vector_load_idx %arg13[%broadcast_in_dim3A_5, %add3A_184] : memref<1x128xi32, #tpu.memory_space<vmem>>[vector<16xi32>, vector<16xi32>], vector<16xi32>,
        %sub3A_185 = vector.broadcast %mul3A_2 : i32 to vector<16xi32>
        %sub3A_186 = arith.subi %gather3A, %sub3A_185 : vector<16xi32>
        %gather3A_187 = tpu.vector_load_idx %arg10[%sub3A_186] : memref<3128xi32, #tpu.memory_space<vmem>>[vector<16xi32>], vector<16xi32>,
        %convert_element_type3A_188 = arith.sitofp %gather3A_187 : vector<16xi32> to vector<16xf32>
        %div3A = arith.constant 1.000000e+00 : f32
        %div3A_189 = vector.broadcast %div3A : f32 to vector<16xf32>
        %div3A_190 = arith.divf %div3A_189, %convert_element_type3A_188 : vector<16xf32>
        tpu.vector_store_idx %arg17[%add3A_184], %div3A_190 : memref<128xf32, #tpu.memory_space<vmem>>[vector<16xi32>], vector<16xf32>,
      }
      %while3A_155 = arith.constant 0 : i64
      %while3A_156 = arith.constant 0 : i32
      %while3A_157 = arith.constant 128 : i32
      %while3A_158 = arith.subi %while3A_157, %while3A_156 : i32
      %while3A_159 = arith.addi %while3A_156, %while3A_158 : i32
      %while3A_160 = arith.constant 1 : i32
      %while3A_161 = arith.divsi %while3A_158, %while3A_160 : i32
      %while3A_162 = arith.muli %while3A_161, %while3A_160 : i32
      %while3A_163 = arith.addi %while3A_156, %while3A_162 : i32
      %while3A_164 = arith.constant 1 : i32
      scf.for %while3A_180 = %while3A_156 to %while3A_163 step %while3A_164  : i32 {
        %broadcast_in_dim3A_181 = vector.broadcast %while3A_180 : i32 to vector<16xi32>
        %gather3A = tpu.vector_load_idx %arg17[%broadcast_in_dim3A_181] : memref<128xf32, #tpu.memory_space<vmem>>[vector<16xi32>], vector<16xf32>,
        %add3A_182 = arith.constant 0 : i32
        %add3A_183 = vector.broadcast %add3A_182 : i32 to vector<16xi32>
        %add3A_184 = arith.addi %add3A_183, %iota3A : vector<16xi32>
        %gather3A_185 = tpu.vector_load_idx %arg14[%broadcast_in_dim3A_181, %add3A_184] : memref<128x128xf32, #tpu.memory_space<vmem>>[vector<16xi32>, vector<16xi32>], vector<16xf32>,
        %gather3A_186 = tpu.vector_load_idx %arg15[%broadcast_in_dim3A_181, %add3A_184] : memref<128x128xf32, #tpu.memory_space<vmem>>[vector<16xi32>, vector<16xi32>], vector<16xf32>,
        %sub3A_187 = arith.subf %gather3A_185, %gather3A_186 : vector<16xf32>
        %mul3A_188 = arith.mulf %sub3A_187, %gather3A : vector<16xf32>
        %add3A_189 = arith.addf %gather3A_186, %mul3A_188 : vector<16xf32>
        tpu.vector_store_idx %arg16[%broadcast_in_dim3A_181, %add3A_184], %add3A_189 : memref<128x128xf32, #tpu.memory_space<vmem>>[vector<16xi32>, vector<16xi32>], vector<16xf32>,
        %add3A_190 = arith.constant 16 : i32
        %add3A_191 = vector.broadcast %add3A_190 : i32 to vector<16xi32>
        %add3A_192 = arith.addi %add3A_191, %iota3A : vector<16xi32>
        %gather3A_193 = tpu.vector_load_idx %arg14[%broadcast_in_dim3A_181, %add3A_192] : memref<128x128xf32, #tpu.memory_space<vmem>>[vector<16xi32>, vector<16xi32>], vector<16xf32>,
        %gather3A_194 = tpu.vector_load_idx %arg15[%broadcast_in_dim3A_181, %add3A_192] : memref<128x128xf32, #tpu.memory_space<vmem>>[vector<16xi32>, vector<16xi32>], vector<16xf32>,
        %sub3A_195 = arith.subf %gather3A_193, %gather3A_194 : vector<16xf32>
        %mul3A_196 = arith.mulf %sub3A_195, %gather3A : vector<16xf32>
        %add3A_197 = arith.addf %gather3A_194, %mul3A_196 : vector<16xf32>
        tpu.vector_store_idx %arg16[%broadcast_in_dim3A_181, %add3A_192], %add3A_197 : memref<128x128xf32, #tpu.memory_space<vmem>>[vector<16xi32>, vector<16xi32>], vector<16xf32>,
        %add3A_198 = arith.constant 32 : i32
        %add3A_199 = vector.broadcast %add3A_198 : i32 to vector<16xi32>
        %add3A_200 = arith.addi %add3A_199, %iota3A : vector<16xi32>
        %gather3A_201 = tpu.vector_load_idx %arg14[%broadcast_in_dim3A_181, %add3A_200] : memref<128x128xf32, #tpu.memory_space<vmem>>[vector<16xi32>, vector<16xi32>], vector<16xf32>,
        %gather3A_202 = tpu.vector_load_idx %arg15[%broadcast_in_dim3A_181, %add3A_200] : memref<128x128xf32, #tpu.memory_space<vmem>>[vector<16xi32>, vector<16xi32>], vector<16xf32>,
        %sub3A_203 = arith.subf %gather3A_201, %gather3A_202 : vector<16xf32>
        %mul3A_204 = arith.mulf %sub3A_203, %gather3A : vector<16xf32>
        %add3A_205 = arith.addf %gather3A_202, %mul3A_204 : vector<16xf32>
        tpu.vector_store_idx %arg16[%broadcast_in_dim3A_181, %add3A_200], %add3A_205 : memref<128x128xf32, #tpu.memory_space<vmem>>[vector<16xi32>, vector<16xi32>], vector<16xf32>,
        %add3A_206 = arith.constant 48 : i32
        %add3A_207 = vector.broadcast %add3A_206 : i32 to vector<16xi32>
        %add3A_208 = arith.addi %add3A_207, %iota3A : vector<16xi32>
        %gather3A_209 = tpu.vector_load_idx %arg14[%broadcast_in_dim3A_181, %add3A_208] : memref<128x128xf32, #tpu.memory_space<vmem>>[vector<16xi32>, vector<16xi32>], vector<16xf32>,
        %gather3A_210 = tpu.vector_load_idx %arg15[%broadcast_in_dim3A_181, %add3A_208] : memref<128x128xf32, #tpu.memory_space<vmem>>[vector<16xi32>, vector<16xi32>], vector<16xf32>,
        %sub3A_211 = arith.subf %gather3A_209, %gather3A_210 : vector<16xf32>
        %mul3A_212 = arith.mulf %sub3A_211, %gather3A : vector<16xf32>
        %add3A_213 = arith.addf %gather3A_210, %mul3A_212 : vector<16xf32>
        tpu.vector_store_idx %arg16[%broadcast_in_dim3A_181, %add3A_208], %add3A_213 : memref<128x128xf32, #tpu.memory_space<vmem>>[vector<16xi32>, vector<16xi32>], vector<16xf32>,
        %add3A_214 = arith.constant 64 : i32
        %add3A_215 = vector.broadcast %add3A_214 : i32 to vector<16xi32>
        %add3A_216 = arith.addi %add3A_215, %iota3A : vector<16xi32>
        %gather3A_217 = tpu.vector_load_idx %arg14[%broadcast_in_dim3A_181, %add3A_216] : memref<128x128xf32, #tpu.memory_space<vmem>>[vector<16xi32>, vector<16xi32>], vector<16xf32>,
        %gather3A_218 = tpu.vector_load_idx %arg15[%broadcast_in_dim3A_181, %add3A_216] : memref<128x128xf32, #tpu.memory_space<vmem>>[vector<16xi32>, vector<16xi32>], vector<16xf32>,
        %sub3A_219 = arith.subf %gather3A_217, %gather3A_218 : vector<16xf32>
        %mul3A_220 = arith.mulf %sub3A_219, %gather3A : vector<16xf32>
        %add3A_221 = arith.addf %gather3A_218, %mul3A_220 : vector<16xf32>
        tpu.vector_store_idx %arg16[%broadcast_in_dim3A_181, %add3A_216], %add3A_221 : memref<128x128xf32, #tpu.memory_space<vmem>>[vector<16xi32>, vector<16xi32>], vector<16xf32>,
        %add3A_222 = arith.constant 80 : i32
        %add3A_223 = vector.broadcast %add3A_222 : i32 to vector<16xi32>
        %add3A_224 = arith.addi %add3A_223, %iota3A : vector<16xi32>
        %gather3A_225 = tpu.vector_load_idx %arg14[%broadcast_in_dim3A_181, %add3A_224] : memref<128x128xf32, #tpu.memory_space<vmem>>[vector<16xi32>, vector<16xi32>], vector<16xf32>,
        %gather3A_226 = tpu.vector_load_idx %arg15[%broadcast_in_dim3A_181, %add3A_224] : memref<128x128xf32, #tpu.memory_space<vmem>>[vector<16xi32>, vector<16xi32>], vector<16xf32>,
        %sub3A_227 = arith.subf %gather3A_225, %gather3A_226 : vector<16xf32>
        %mul3A_228 = arith.mulf %sub3A_227, %gather3A : vector<16xf32>
        %add3A_229 = arith.addf %gather3A_226, %mul3A_228 : vector<16xf32>
        tpu.vector_store_idx %arg16[%broadcast_in_dim3A_181, %add3A_224], %add3A_229 : memref<128x128xf32, #tpu.memory_space<vmem>>[vector<16xi32>, vector<16xi32>], vector<16xf32>,
        %add3A_230 = arith.constant 96 : i32
        %add3A_231 = vector.broadcast %add3A_230 : i32 to vector<16xi32>
        %add3A_232 = arith.addi %add3A_231, %iota3A : vector<16xi32>
        %gather3A_233 = tpu.vector_load_idx %arg14[%broadcast_in_dim3A_181, %add3A_232] : memref<128x128xf32, #tpu.memory_space<vmem>>[vector<16xi32>, vector<16xi32>], vector<16xf32>,
        %gather3A_234 = tpu.vector_load_idx %arg15[%broadcast_in_dim3A_181, %add3A_232] : memref<128x128xf32, #tpu.memory_space<vmem>>[vector<16xi32>, vector<16xi32>], vector<16xf32>,
        %sub3A_235 = arith.subf %gather3A_233, %gather3A_234 : vector<16xf32>
        %mul3A_236 = arith.mulf %sub3A_235, %gather3A : vector<16xf32>
        %add3A_237 = arith.addf %gather3A_234, %mul3A_236 : vector<16xf32>
        tpu.vector_store_idx %arg16[%broadcast_in_dim3A_181, %add3A_232], %add3A_237 : memref<128x128xf32, #tpu.memory_space<vmem>>[vector<16xi32>, vector<16xi32>], vector<16xf32>,
        %add3A_238 = arith.constant 112 : i32
        %add3A_239 = vector.broadcast %add3A_238 : i32 to vector<16xi32>
        %add3A_240 = arith.addi %add3A_239, %iota3A : vector<16xi32>
        %gather3A_241 = tpu.vector_load_idx %arg14[%broadcast_in_dim3A_181, %add3A_240] : memref<128x128xf32, #tpu.memory_space<vmem>>[vector<16xi32>, vector<16xi32>], vector<16xf32>,
        %gather3A_242 = tpu.vector_load_idx %arg15[%broadcast_in_dim3A_181, %add3A_240] : memref<128x128xf32, #tpu.memory_space<vmem>>[vector<16xi32>, vector<16xi32>], vector<16xf32>,
        %sub3A_243 = arith.subf %gather3A_241, %gather3A_242 : vector<16xf32>
        %mul3A_244 = arith.mulf %sub3A_243, %gather3A : vector<16xf32>
        %add3A_245 = arith.addf %gather3A_242, %mul3A_244 : vector<16xf32>
        tpu.vector_store_idx %arg16[%broadcast_in_dim3A_181, %add3A_240], %add3A_245 : memref<128x128xf32, #tpu.memory_space<vmem>>[vector<16xi32>, vector<16xi32>], vector<16xf32>,
      }
      %while3A_165 = arith.constant 1 : i32
      scf.for %while3A_180 = %while3A_163 to %while3A_159 step %while3A_165  : i32 {
        %broadcast_in_dim3A_181 = vector.broadcast %while3A_180 : i32 to vector<16xi32>
        %gather3A = tpu.vector_load_idx %arg17[%broadcast_in_dim3A_181] : memref<128xf32, #tpu.memory_space<vmem>>[vector<16xi32>], vector<16xf32>,
        %add3A_182 = arith.constant 0 : i32
        %add3A_183 = vector.broadcast %add3A_182 : i32 to vector<16xi32>
        %add3A_184 = arith.addi %add3A_183, %iota3A : vector<16xi32>
        %gather3A_185 = tpu.vector_load_idx %arg14[%broadcast_in_dim3A_181, %add3A_184] : memref<128x128xf32, #tpu.memory_space<vmem>>[vector<16xi32>, vector<16xi32>], vector<16xf32>,
        %gather3A_186 = tpu.vector_load_idx %arg15[%broadcast_in_dim3A_181, %add3A_184] : memref<128x128xf32, #tpu.memory_space<vmem>>[vector<16xi32>, vector<16xi32>], vector<16xf32>,
        %sub3A_187 = arith.subf %gather3A_185, %gather3A_186 : vector<16xf32>
        %mul3A_188 = arith.mulf %sub3A_187, %gather3A : vector<16xf32>
        %add3A_189 = arith.addf %gather3A_186, %mul3A_188 : vector<16xf32>
        tpu.vector_store_idx %arg16[%broadcast_in_dim3A_181, %add3A_184], %add3A_189 : memref<128x128xf32, #tpu.memory_space<vmem>>[vector<16xi32>, vector<16xi32>], vector<16xf32>,
        %add3A_190 = arith.constant 16 : i32
        %add3A_191 = vector.broadcast %add3A_190 : i32 to vector<16xi32>
        %add3A_192 = arith.addi %add3A_191, %iota3A : vector<16xi32>
        %gather3A_193 = tpu.vector_load_idx %arg14[%broadcast_in_dim3A_181, %add3A_192] : memref<128x128xf32, #tpu.memory_space<vmem>>[vector<16xi32>, vector<16xi32>], vector<16xf32>,
        %gather3A_194 = tpu.vector_load_idx %arg15[%broadcast_in_dim3A_181, %add3A_192] : memref<128x128xf32, #tpu.memory_space<vmem>>[vector<16xi32>, vector<16xi32>], vector<16xf32>,
        %sub3A_195 = arith.subf %gather3A_193, %gather3A_194 : vector<16xf32>
        %mul3A_196 = arith.mulf %sub3A_195, %gather3A : vector<16xf32>
        %add3A_197 = arith.addf %gather3A_194, %mul3A_196 : vector<16xf32>
        tpu.vector_store_idx %arg16[%broadcast_in_dim3A_181, %add3A_192], %add3A_197 : memref<128x128xf32, #tpu.memory_space<vmem>>[vector<16xi32>, vector<16xi32>], vector<16xf32>,
        %add3A_198 = arith.constant 32 : i32
        %add3A_199 = vector.broadcast %add3A_198 : i32 to vector<16xi32>
        %add3A_200 = arith.addi %add3A_199, %iota3A : vector<16xi32>
        %gather3A_201 = tpu.vector_load_idx %arg14[%broadcast_in_dim3A_181, %add3A_200] : memref<128x128xf32, #tpu.memory_space<vmem>>[vector<16xi32>, vector<16xi32>], vector<16xf32>,
        %gather3A_202 = tpu.vector_load_idx %arg15[%broadcast_in_dim3A_181, %add3A_200] : memref<128x128xf32, #tpu.memory_space<vmem>>[vector<16xi32>, vector<16xi32>], vector<16xf32>,
        %sub3A_203 = arith.subf %gather3A_201, %gather3A_202 : vector<16xf32>
        %mul3A_204 = arith.mulf %sub3A_203, %gather3A : vector<16xf32>
        %add3A_205 = arith.addf %gather3A_202, %mul3A_204 : vector<16xf32>
        tpu.vector_store_idx %arg16[%broadcast_in_dim3A_181, %add3A_200], %add3A_205 : memref<128x128xf32, #tpu.memory_space<vmem>>[vector<16xi32>, vector<16xi32>], vector<16xf32>,
        %add3A_206 = arith.constant 48 : i32
        %add3A_207 = vector.broadcast %add3A_206 : i32 to vector<16xi32>
        %add3A_208 = arith.addi %add3A_207, %iota3A : vector<16xi32>
        %gather3A_209 = tpu.vector_load_idx %arg14[%broadcast_in_dim3A_181, %add3A_208] : memref<128x128xf32, #tpu.memory_space<vmem>>[vector<16xi32>, vector<16xi32>], vector<16xf32>,
        %gather3A_210 = tpu.vector_load_idx %arg15[%broadcast_in_dim3A_181, %add3A_208] : memref<128x128xf32, #tpu.memory_space<vmem>>[vector<16xi32>, vector<16xi32>], vector<16xf32>,
        %sub3A_211 = arith.subf %gather3A_209, %gather3A_210 : vector<16xf32>
        %mul3A_212 = arith.mulf %sub3A_211, %gather3A : vector<16xf32>
        %add3A_213 = arith.addf %gather3A_210, %mul3A_212 : vector<16xf32>
        tpu.vector_store_idx %arg16[%broadcast_in_dim3A_181, %add3A_208], %add3A_213 : memref<128x128xf32, #tpu.memory_space<vmem>>[vector<16xi32>, vector<16xi32>], vector<16xf32>,
        %add3A_214 = arith.constant 64 : i32
        %add3A_215 = vector.broadcast %add3A_214 : i32 to vector<16xi32>
        %add3A_216 = arith.addi %add3A_215, %iota3A : vector<16xi32>
        %gather3A_217 = tpu.vector_load_idx %arg14[%broadcast_in_dim3A_181, %add3A_216] : memref<128x128xf32, #tpu.memory_space<vmem>>[vector<16xi32>, vector<16xi32>], vector<16xf32>,
        %gather3A_218 = tpu.vector_load_idx %arg15[%broadcast_in_dim3A_181, %add3A_216] : memref<128x128xf32, #tpu.memory_space<vmem>>[vector<16xi32>, vector<16xi32>], vector<16xf32>,
        %sub3A_219 = arith.subf %gather3A_217, %gather3A_218 : vector<16xf32>
        %mul3A_220 = arith.mulf %sub3A_219, %gather3A : vector<16xf32>
        %add3A_221 = arith.addf %gather3A_218, %mul3A_220 : vector<16xf32>
        tpu.vector_store_idx %arg16[%broadcast_in_dim3A_181, %add3A_216], %add3A_221 : memref<128x128xf32, #tpu.memory_space<vmem>>[vector<16xi32>, vector<16xi32>], vector<16xf32>,
        %add3A_222 = arith.constant 80 : i32
        %add3A_223 = vector.broadcast %add3A_222 : i32 to vector<16xi32>
        %add3A_224 = arith.addi %add3A_223, %iota3A : vector<16xi32>
        %gather3A_225 = tpu.vector_load_idx %arg14[%broadcast_in_dim3A_181, %add3A_224] : memref<128x128xf32, #tpu.memory_space<vmem>>[vector<16xi32>, vector<16xi32>], vector<16xf32>,
        %gather3A_226 = tpu.vector_load_idx %arg15[%broadcast_in_dim3A_181, %add3A_224] : memref<128x128xf32, #tpu.memory_space<vmem>>[vector<16xi32>, vector<16xi32>], vector<16xf32>,
        %sub3A_227 = arith.subf %gather3A_225, %gather3A_226 : vector<16xf32>
        %mul3A_228 = arith.mulf %sub3A_227, %gather3A : vector<16xf32>
        %add3A_229 = arith.addf %gather3A_226, %mul3A_228 : vector<16xf32>
        tpu.vector_store_idx %arg16[%broadcast_in_dim3A_181, %add3A_224], %add3A_229 : memref<128x128xf32, #tpu.memory_space<vmem>>[vector<16xi32>, vector<16xi32>], vector<16xf32>,
        %add3A_230 = arith.constant 96 : i32
        %add3A_231 = vector.broadcast %add3A_230 : i32 to vector<16xi32>
        %add3A_232 = arith.addi %add3A_231, %iota3A : vector<16xi32>
        %gather3A_233 = tpu.vector_load_idx %arg14[%broadcast_in_dim3A_181, %add3A_232] : memref<128x128xf32, #tpu.memory_space<vmem>>[vector<16xi32>, vector<16xi32>], vector<16xf32>,
        %gather3A_234 = tpu.vector_load_idx %arg15[%broadcast_in_dim3A_181, %add3A_232] : memref<128x128xf32, #tpu.memory_space<vmem>>[vector<16xi32>, vector<16xi32>], vector<16xf32>,
        %sub3A_235 = arith.subf %gather3A_233, %gather3A_234 : vector<16xf32>
        %mul3A_236 = arith.mulf %sub3A_235, %gather3A : vector<16xf32>
        %add3A_237 = arith.addf %gather3A_234, %mul3A_236 : vector<16xf32>
        tpu.vector_store_idx %arg16[%broadcast_in_dim3A_181, %add3A_232], %add3A_237 : memref<128x128xf32, #tpu.memory_space<vmem>>[vector<16xi32>, vector<16xi32>], vector<16xf32>,
        %add3A_238 = arith.constant 112 : i32
        %add3A_239 = vector.broadcast %add3A_238 : i32 to vector<16xi32>
        %add3A_240 = arith.addi %add3A_239, %iota3A : vector<16xi32>
        %gather3A_241 = tpu.vector_load_idx %arg14[%broadcast_in_dim3A_181, %add3A_240] : memref<128x128xf32, #tpu.memory_space<vmem>>[vector<16xi32>, vector<16xi32>], vector<16xf32>,
        %gather3A_242 = tpu.vector_load_idx %arg15[%broadcast_in_dim3A_181, %add3A_240] : memref<128x128xf32, #tpu.memory_space<vmem>>[vector<16xi32>, vector<16xi32>], vector<16xf32>,
        %sub3A_243 = arith.subf %gather3A_241, %gather3A_242 : vector<16xf32>
        %mul3A_244 = arith.mulf %sub3A_243, %gather3A : vector<16xf32>
        %add3A_245 = arith.addf %gather3A_242, %mul3A_244 : vector<16xf32>
        tpu.vector_store_idx %arg16[%broadcast_in_dim3A_181, %add3A_240], %add3A_245 : memref<128x128xf32, #tpu.memory_space<vmem>>[vector<16xi32>, vector<16xi32>], vector<16xf32>,
      }
      %dma_start3A_166 = arith.constant 0 : i32
      %dma_start3A_167 = arith.constant 0 : i32
      %dma_start3A_168 = tpu.memref_slice %arg13[%dma_start3A_166, %dma_start3A_167] : memref<1x128xi32, #tpu.memory_space<vmem>> -> memref<1x128xi32, #tpu.memory_space<vmem>>
      %dma_start3A_169 = tpu.memref_squeeze %dma_start3A_168 : memref<1x128xi32, #tpu.memory_space<vmem>> -> memref<128xi32, #tpu.memory_space<vmem>>
      %dma_start3A_170 = arith.constant 0 : i32
      %dma_start3A_171 = arith.constant 0 : i32
      %dma_start3A_172 = tpu.memref_slice %arg6[%dma_start3A_170, %dma_start3A_171] : memref<100000x128xf32, #tpu.memory_space<hbm>> -> memref<100000x128xf32, #tpu.memory_space<hbm>>
      tpu.enqueue_indirect_dma source(%arg16 : memref<128x128xf32, #tpu.memory_space<vmem>>) target(%dma_start3A_172 : memref<100000x128xf32, #tpu.memory_space<hbm>>) offsets(%dma_start3A_169 : memref<128xi32, #tpu.memory_space<vmem>>) semaphore(%arg20 : memref<!tpu.dma_semaphore, #tpu.memory_space<semaphore_mem>>)
      %dma_wait3A_173 = arith.constant 0 : i32
      %dma_wait3A_174 = arith.constant 0 : i32
      %dma_wait3A_175 = tpu.memref_slice %arg13[%dma_wait3A_173, %dma_wait3A_174] : memref<1x128xi32, #tpu.memory_space<vmem>> -> memref<1x128xi32, #tpu.memory_space<vmem>>
      %dma_wait3A_176 = tpu.memref_squeeze %dma_wait3A_175 : memref<1x128xi32, #tpu.memory_space<vmem>> -> memref<128xi32, #tpu.memory_space<vmem>>
      %dma_wait3A_177 = arith.constant 0 : i32
      %dma_wait3A_178 = arith.constant 0 : i32
      %dma_wait3A_179 = tpu.memref_slice %arg6[%dma_wait3A_177, %dma_wait3A_178] : memref<100000x128xf32, #tpu.memory_space<hbm>> -> memref<100000x128xf32, #tpu.memory_space<hbm>>
      tpu.wait_indirect_dma semaphore(%arg20 : memref<!tpu.dma_semaphore, #tpu.memory_space<semaphore_mem>>) src(%arg16 : memref<128x128xf32, #tpu.memory_space<vmem>>) dst(%dma_wait3A_179 : memref<100000x128xf32, #tpu.memory_space<hbm>>)
    }
    %not3A_102 = arith.constant true
    %not3A_103 = arith.xori %eq3A_3, %not3A_102 : i1
    %convert_element_type3A_104 = arith.extui %not3A_103 : i1 to i32
    %cond3A_105 = arith.constant 0 : i32
    %cond3A_106 = arith.cmpi ne, %convert_element_type3A_104, %cond3A_105 : i32
    scf.if %cond3A_106 {
      "tpu.region"() ({
        %run_scoped3A = tpu.sem_alloc : memref<!tpu.dma_semaphore, #tpu.memory_space<semaphore_mem>>
        %dma_start3A = tpu.memref_slice %arg7[%mul3A_2] : memref<100000xi32, #tpu.memory_space<hbm>> -> memref<3128xi32, #tpu.memory_space<hbm>>
        %dma_start3A_110 = tpu.memref_slice %arg7[%mul3A_2] : memref<100000xi32, #tpu.memory_space<hbm>> -> memref<3128xi32, #tpu.memory_space<hbm>>
        tpu.enqueue_dma source(%arg10 : memref<3128xi32, #tpu.memory_space<vmem>>) target(%dma_start3A_110 : memref<3128xi32, #tpu.memory_space<hbm>>) target_semaphore(%run_scoped3A : memref<!tpu.dma_semaphore, #tpu.memory_space<semaphore_mem>>)
        %dma_wait3A = tpu.memref_slice %arg7[%mul3A_2] : memref<100000xi32, #tpu.memory_space<hbm>> -> memref<3128xi32, #tpu.memory_space<hbm>>
        %dma_wait3A_111 = tpu.memref_slice %arg7[%mul3A_2] : memref<100000xi32, #tpu.memory_space<hbm>> -> memref<3128xi32, #tpu.memory_space<hbm>>
        tpu.wait_dma2 semaphore(%run_scoped3A : memref<!tpu.dma_semaphore, #tpu.memory_space<semaphore_mem>>) src(%arg10 : memref<3128xi32, #tpu.memory_space<vmem>>) dst(%dma_wait3A_111 : memref<3128xi32, #tpu.memory_space<hbm>>)
        tpu.yield
      }) : () -> ()
    } else {
    }
    %convert_element_type3A_107 = arith.extui %eq3A_3 : i1 to i32
    %cond3A_108 = arith.constant 0 : i32
    %cond3A_109 = arith.cmpi ne, %convert_element_type3A_107, %cond3A_108 : i32
    scf.if %cond3A_109 {
      "tpu.region"() ({
        %run_scoped3A = tpu.sem_alloc : memref<!tpu.dma_semaphore, #tpu.memory_space<semaphore_mem>>
        %dma_start3A = arith.constant 0 : i32
        %dma_start3A_110 = tpu.memref_slice %arg10[%dma_start3A] : memref<3128xi32, #tpu.memory_space<vmem>> -> memref<3032xi32, #tpu.memory_space<vmem>>
        %dma_start3A_111 = tpu.memref_slice %arg7[%mul3A_2] : memref<100000xi32, #tpu.memory_space<hbm>> -> memref<3032xi32, #tpu.memory_space<hbm>>
        %dma_start3A_112 = tpu.memref_slice %arg7[%mul3A_2] : memref<100000xi32, #tpu.memory_space<hbm>> -> memref<3032xi32, #tpu.memory_space<hbm>>
        %dma_start3A_113 = arith.constant 0 : i32
        %dma_start3A_114 = tpu.memref_slice %arg10[%dma_start3A_113] : memref<3128xi32, #tpu.memory_space<vmem>> -> memref<3032xi32, #tpu.memory_space<vmem>>
        tpu.enqueue_dma source(%dma_start3A_114 : memref<3032xi32, #tpu.memory_space<vmem>>) target(%dma_start3A_112 : memref<3032xi32, #tpu.memory_space<hbm>>) target_semaphore(%run_scoped3A : memref<!tpu.dma_semaphore, #tpu.memory_space<semaphore_mem>>)
        %dma_wait3A = arith.constant 0 : i32
        %dma_wait3A_115 = tpu.memref_slice %arg10[%dma_wait3A] : memref<3128xi32, #tpu.memory_space<vmem>> -> memref<3032xi32, #tpu.memory_space<vmem>>
        %dma_wait3A_116 = tpu.memref_slice %arg7[%mul3A_2] : memref<100000xi32, #tpu.memory_space<hbm>> -> memref<3032xi32, #tpu.memory_space<hbm>>
        %dma_wait3A_117 = tpu.memref_slice %arg7[%mul3A_2] : memref<100000xi32, #tpu.memory_space<hbm>> -> memref<3032xi32, #tpu.memory_space<hbm>>
        %dma_wait3A_118 = arith.constant 0 : i32
        %dma_wait3A_119 = tpu.memref_slice %arg10[%dma_wait3A_118] : memref<3128xi32, #tpu.memory_space<vmem>> -> memref<3032xi32, #tpu.memory_space<vmem>>
        tpu.wait_dma2 semaphore(%run_scoped3A : memref<!tpu.dma_semaphore, #tpu.memory_space<semaphore_mem>>) src(%dma_wait3A_119 : memref<3032xi32, #tpu.memory_space<vmem>>) dst(%dma_wait3A_117 : memref<3032xi32, #tpu.memory_space<hbm>>)
        tpu.yield
      }) : () -> ()
    } else {
    }
    return
  }
}

</mosaic_0001>

<sc_bundles>
// kernel: kernel.3.cloned.1.call-start
scs
__scs_entry_jumppad:
0x0: {  	(pc) =	sbr.rel $0x88, $3  }
0x1: {  	(tag) =	ssettag $0x0;
	lr =	simm.s32 $0x1  }
0x2: {  	[smem:$0x3F9D] =	sst lr;
	_ =	strace $0xD0000000  }
0x3: {  	_ = 	snop  }
0x4: {  	_ = 	snop  }
0x5: {  	_ = 	snop  }
0x6: {  	_ = 	snop  }
0x7: {  	_ = 	snop  }
__scs_overlays_trampoline_lowered:
0x8: {  	[smem:$0x3FAC] =	sst s0  }
0x9: {  	[smem:$0x3FAD] =	sst s1  }
0xa: {  	[smem:$0x3FAE] =	sst s2  }
0xb: {  	[smem:$0x3FAF] =	sst s3  }
0xc: {  	[smem:$0x3FB0] =	sst s4  }
0xd: {  	[smem:$0x3FB1] =	sst s5  }
0xe: {  	[smem:$0x3FB2] =	sst s6  }
0xf: {  	[smem:$0x3FB3] =	sst s7  }
0x10: {  	[smem:$0x3FB4] =	sst s8  }
0x11: {  	[smem:$0x3FB5] =	sst s9;
	s0 =	simm.s32 @!p0 $0x0  }
0x12: {  	s1 =	sld [smem:$0x3F9B];
	s0 =	simm.s32 @p0 $0x1  }
0x13: {  	[smem:$0x3FB6] =	sst s0;
	s0 =	simm.s32 @!p1 $0x0  }
0x14: {  	s2 =	sld [smem:$0x3F9A];
	s0 =	simm.s32 @p1 $0x1  }
0x15: {  	[smem:$0x3FB7] =	sst s0;
	s0 =	simm.s32 @!p2 $0x0  }
0x16: {  	s3 =	sld [smem:$0x3FDB];
	s0 =	simm.s32 @p2 $0x1  }
0x17: {  	s4 =	simm.s32 $0x1BF5;
	[smem:$0x3FB9] =	sst s0  }
0x18: {  	s0 =	sld [smem:$0x3F9C];
	_ =	swait.ge [sflag:s4], $0x0  }
0x19: {  	s7 =	sld [smem:$0x3F9D]  }
0x1a: {  	s8 =	sadd.s32 $0xFFFFE003, lr  }
0x1b: {  	s9 =	sadd.s32 $0xFFFFFEF7, lr;
	s5 =	simm.s32 $0xFFFFFFFF;
	p2 =	slt.u32 s8, $0xFFFFF086  }
0x1c: {  	p1 =	slt.u32 s9, $0xF7A;
	s5 =	simm.s32 @!p2 $0x0  }
0x1d: {  	s5 =	simm.s32 @p1 $0x1;
	p0 =	seq.s32 s7, s2  }
0x1e: {  	s7 =	smul.u32 @!p0 $0xF7A, s2;
	p2 =	seq.s32 @!p0 s5, $0x0  }
0x1f: {  	s9 =	smul.u32 $0xF7A, s1;
	s8 =	simm.s32 @!p0 $0x1BF5;
	p2 =	por !p2, p0  }
0x20: {  	[sflag:s8] =	ssyncset.s32 @!p0 $0xFFFFF086;
	s6 =	sadd.s32 @!p0 s3, s7;
	s7 =	simm.s32 @!p0 $0x108  }
0x21: {  	s3 =	sadd.s32 s3, s9;
	s6 =	sadd.s32 @!p0 $0x88, s6;
	s7 =	simm.s32 @p2 $0x1082  }
0x22: {  	[simem:s7], [sflag:s8] =	dma.local @!p0 [hbm:s6], $0xF7A  }
0x23: {  	s9 =	sor.u32 $0xD0000000, s2;
	s6 =	simm.s32 $0x108;
	_ =	swait.ge @!p0 [sflag:s8], $0x0  }
0x24: {  	s3 =	sadd.s32 $0x88, s3;
	s6 =	simm.s32 @!p1 $0x1082;
	[sflag:s4] =	ssyncset.s32 $0xFFFFF086  }
0x25: {  	[simem:s6], [sflag:s4] =	dma.local [hbm:s3], $0xF7A  }
0x26: {  	[smem:$0x3F9D] =	sst s1;
	(tag) =	ssettag s2;
	_ =	strace s9  }
0x27: {  	s1 =	sld [smem:$0x3FAD]  }
0x28: {  	s2 =	sld [smem:$0x3FAE]  }
0x29: {  	s4 =	sld [smem:$0x3FB0]  }
0x2a: {  	p0 =	seq.s32 s5, $0x0;
	s5 =	sld [smem:$0x3FB1]  }
0x2b: {  	s6 =	sld [smem:$0x3FB2]  }
0x2c: {  	s7 =	sld [smem:$0x3FB3]  }
0x2d: {  	s3 =	simm.s32 $0x108;
	s8 =	sld [smem:$0x3FB4]  }
0x2e: {  	s3 =	simm.s32 @!p0 $0x1082;
	s9 =	sld [smem:$0x3FB5]  }
0x2f: {  	lr =	sadd.s32 s0, s3;
	s0 =	sld [smem:$0x3FAC]  }
0x30: {  	s3 =	sld [smem:$0x3FAF]  }
0x31: {  	[smem:$0x3FB8] =	sst s10  }
0x32: {  	s10 =	sld [smem:$0x3FB6];
	_ =	sdelay $0x3  }
0x33: {  	p0 =	seq.s32 s10, $0x1;
	s10 =	sld [smem:$0x3FB8];
	_ =	sdelay $0x3  }
0x34: {  	[smem:$0x3FB8] =	sst s10  }
0x35: {  	s10 =	sld [smem:$0x3FB7];
	_ =	sdelay $0x3  }
0x36: {  	p1 =	seq.s32 s10, $0x1;
	s10 =	sld [smem:$0x3FB8];
	_ =	sdelay $0x3  }
0x37: {  	[smem:$0x3FB8] =	sst s10  }
0x38: {  	s10 =	sld [smem:$0x3FB9]  }
0x39: {  	_ = 	snop;
	(pc) =	sbr.ind lr, $3  }
0x3a: {  	_ = 	snop  }
0x3b: {  	_ = 	snop  }
0x3c: {  	p2 =	seq.s32 s10, $0x1;
	s10 =	sld [smem:$0x3FB8]  }
0x3d: {  	_ =	shalt  }
0x3e: {  	_ =	shalt  }
0x3f: {  	_ =	shalt  }
0x40: {  	_ =	shalt  }
0x41: {  	_ =	shalt  }
0x42: {  	_ =	shalt  }
0x43: {  	_ =	shalt  }
0x44: {  	_ =	shalt  }
0x45: {  	_ =	shalt  }
0x46: {  	_ =	shalt  }
0x47: {  	_ =	shalt  }
0x48: {  	_ =	shalt  }
0x49: {  	_ =	shalt  }
0x4a: {  	_ =	shalt  }
0x4b: {  	_ =	shalt  }
0x4c: {  	_ =	shalt  }
0x4d: {  	_ =	shalt  }
0x4e: {  	_ =	shalt  }
0x4f: {  	_ =	shalt  }
0x50: {  	_ =	shalt  }
0x51: {  	_ =	shalt  }
0x52: {  	_ =	shalt  }
0x53: {  	_ =	shalt  }
0x54: {  	_ =	shalt  }
0x55: {  	_ =	shalt  }
0x56: {  	_ =	shalt  }
0x57: {  	_ =	shalt  }
0x58: {  	_ =	shalt  }
0x59: {  	_ =	shalt  }
0x5a: {  	_ =	shalt  }
0x5b: {  	_ =	shalt  }
0x5c: {  	_ =	shalt  }
0x5d: {  	_ =	shalt  }
0x5e: {  	_ =	shalt  }
0x5f: {  	_ =	shalt  }
0x60: {  	_ =	shalt  }
0x61: {  	_ =	shalt  }
0x62: {  	_ =	shalt  }
0x63: {  	_ =	shalt  }
0x64: {  	_ =	shalt  }
0x65: {  	_ =	shalt  }
0x66: {  	_ =	shalt  }
0x67: {  	_ =	shalt  }
0x68: {  	_ =	shalt  }
0x69: {  	_ =	shalt  }
0x6a: {  	_ =	shalt  }
0x6b: {  	_ =	shalt  }
0x6c: {  	_ =	shalt  }
0x6d: {  	_ =	shalt  }
0x6e: {  	_ =	shalt  }
0x6f: {  	_ =	shalt  }
0x70: {  	_ =	shalt  }
0x71: {  	_ =	shalt  }
0x72: {  	_ =	shalt  }
0x73: {  	_ =	shalt  }
0x74: {  	_ =	shalt  }
0x75: {  	_ =	shalt  }
0x76: {  	_ =	shalt  }
0x77: {  	_ =	shalt  }
0x78: {  	_ =	shalt  }
0x79: {  	_ =	shalt  }
0x7a: {  	_ =	shalt  }
0x7b: {  	_ =	shalt  }
0x7c: {  	_ =	shalt  }
0x7d: {  	_ =	shalt  }
0x7e: {  	_ =	shalt  }
0x7f: {  	_ =	shalt  }
0x80: {  	_ =	shalt  }
0x81: {  	_ =	shalt  }
0x82: {  	_ =	shalt  }
0x83: {  	_ =	shalt  }
0x84: {  	_ =	shalt  }
0x85: {  	_ =	shalt  }
0x86: {  	_ =	shalt  }
0x87: {  	_ =	shalt  }
.Lfunc_end0:
.L_simem_size_0:
called_computation_lowered:
.L_overlay_start_0:
0x88: {  	s2 =	sld [smem:$0x3FD9]  }
0x89: {  	s3 =	sld [smem:$0x3FFE];
	_ =	sdelay $0x1  }
0x8a: {  	s1 =	srdreg.scid  }
0x8b: {  	s0 =	sand.u32 $0x1, s1  }
0x8c: {  	s14 =	sshll.u32 s0, $0xA;
	s2 =	sadd.s32 s3, s2  }
0x8d: {  	s2 =	sadd.s32 s2, s14  }
0x8e: {  	[smem:$0x3FC4] =	sst s2  }
0x8f: {  	_ = 	snop  }
0x90: {  	s2 =	sld [smem:$0x3FD0];
	_ =	sdelay $0x2  }
0x91: {  	s4 =	simm.s32 $0xA;
	s5 =	simm.s32 $0x10;
	s15 =	sld [smem:$0x3FC9]  }
0x92: {  	[smem:s5], [sflag:s4] =	dma.local [hbm:s2], $0x1  }
0x93: {  	_ =	swait.eq [sflag:s4], $0x1  }
0x94: {  	[sflag:s4] =	ssyncset.done $0x0  }
0x95: {  	s16 =	sld [smem:$0x10];
	[sflag:s4] =	ssyncadd.s32 $0xFFFFFFFF  }
0x96: {  	s17 =	sld [smem:$0x11];
	(tm) =	ssettm $0x1  }
0x97: {  	s18 =	sld [smem:$0x3FFB];
	_ =	sdelay $0x3  }
0x98: {  	_ =	strace s18  }
0x99: {  	s5 =	sld [smem:$0x3FFC];
	_ =	sdelay $0x3  }
0x9a: {  	_ =	strace s5  }
0x9b: {  	s5 =	sld [smem:$0x3FFD];
	_ =	sdelay $0x3  }
0x9c: {  	_ =	strace s5  }
0x9d: {  	_ =	strace $0x8FFFFFFF  }
0x9e: {  	s19 =	sld [smem:$0x3FDB];
	_ =	sdelay $0x1  }
0x9f: {  	s6 =	simm.s32 $_scs_section_size  }
0xa0: {  	s7 =	simm.s32 $_size__tile_overlayer_lowered;
	s8 =	simm.s32 $_tile_overlayer_lowered  }
0xa1: {  	s22 =	simm.s32 $0x1BFF;
	s21 =	sshll.u32 s8, $0x1;
	s5 =	sadd.s32 s6, s19  }
0xa2: {  	s9 =	simm.s32 $0x0;
	s20 =	sshll.u32 s7, $0x1;
	s7 =	sadd.s32 s21, s5  }
0xa3: {  	[timem:s9], [sflag:s22] =	dma.local [hbm:s7], s20  }
0xa4: {  	_ =	swait.ge [sflag:s22], s20  }
0xa5: {  	s6 =	ssub.s32 $0x0, s20;
	[sflag:s22] =	ssyncset.done $0x0  }
0xa6: {  	[sflag:s22] =	ssyncadd.s32 s6;
	_ =	sdelay $0x1  }
0xa7: {  	s23 =	simm.s32 $0x1B8B  }
0xa8: {  	_ =	swait.ge [sflag:s23], $0x1  }
0xa9: {  	[sflag:s23] =	ssyncset.done $0x0  }
0xaa: {  	s25 =	simm.s32 $0x1B8E;
	s24 =	sld [smem:$0x3FFE];
	[sflag:s23] =	ssyncadd.s32 $0xFFFFFFFF  }
0xab: {  	s26 =	simm.s32 $execute0_lowered;
	[smem:$0x3FD2] =	sst s25  }
0xac: {  	s7 =	sshll.u32 s26, $0x1;
	_ =	strace $0x80000046;
	[dreg:$0x1] =	wrdreg $0xFFFFFFFF  }
0xad: {  	s28 =	simm.s32 $_size_execute0_lowered;
	s5 =	sadd.s32 s5, s7;
	[dreg:$0x0] =	wrdreg $0x0  }
0xae: {  	s7 =	sshll.u32 s28, $0x1;
	[dreg:$0x2] =	wrdreg s5  }
0xaf: {  	[dreg:$0x3] =	wrdreg s7  }
0xb0: {  	[dreg:$0x4] =	wrdreg $0xC0  }
0xb1: {  	_ =	task [dreg:s9], $0x5FFFF  }
0xb2: {  	[dreg:$0x1] =	wrdreg $0xFFFFFFFF  }
0xb3: {  	[dreg:$0x0] =	wrdreg $0x60  }
0xb4: {  	[dreg:$0x2] =	wrdreg s15  }
0xb5: {  	[dreg:$0x3] =	wrdreg s24  }
0xb6: {  	[dreg:$0x4] =	wrdreg s16  }
0xb7: {  	[dreg:$0x5] =	wrdreg s17  }
0xb8: {  	[dreg:$0x6] =	wrdreg $0x9  }
0xb9: {  	_ =	task.clear_ibuf [dreg:s9], $0x7FFFF;
	_ =	strace $0x90000046  }
0xba: {  	s29 =	simm.s32 $0x9;
	_ =	strace $0x80000048  }
0xbb: {  	_ =	swait.ge [sflag:s29], $0x1  }
0xbc: {  	[sflag:s29] =	ssyncadd.s32 $0xFFFFFFFF  }
0xbd: {  	_ =	strace $0x90000048  }
0xbe: {  	_ =	sfence  }
0xbf: {  	s30 =	sld [smem:$0x0];
	_ =	sdelay $0x2  }
0xc0: {  	s31 =	sshll.u32 s1, $0xD;
	s1 =	sshrl.u32 s1, $0x2  }
0xc1: {  	s3 =	sand.u32 $0x4000, s31;
	s1 =	sadd.s32 s1, s30  }
0xc2: {  	s0 =	sor.u32 s3, s0;
	s1 =	sshll.u32 s1, $0x11  }
0xc3: {  	s0 =	sor.u32 s1, s0  }
0xc4: {  	s0 =	sadd.s32 $0x8F2B, s0  }
0xc5: {  	[sflag:s0] =	ssyncadd.remote.s32 $0x1  }
0xc6: {  	_ =	sfence.sel $0xFFFF  }
0xc7: {  	[dreg:$0x0] =	wrdreg $0xFFFFFFFF;
	(pc) =	sbr.abs _section_cstart, $3  }
0xc8: {  	[dreg:$0x1] =	wrdreg $0xFFFFFFFF  }
0xc9: {  	_ =	task.clear_ibuf [dreg:s9], $0x2FFFF;
	_ =	strace $0x9FFFFFFF  }
0xca: {  	(tm) =	ssettm $0x7FFFFFFF  }
0xcb: {  	_ =	shalt  }
tec
execute0_lowered:
.L_overlay_start_1:
0x0: {  	(tag) =	ssettag $0x1  }
0x1: {  	s1 =	rddreg [dreg:$0x0]  }
0x2: {  	s0 =	rddreg [dreg:$0x1]  }
0x3: {  	s3 =	rddreg [dreg:$0x2];
	s2 =	srdreg.scid  }
0x4: {  	s4 =	stileid.u32;
	s6 =	rddreg [dreg:$0x3];
	s15 =	simm.s32 $0x4  }
0x5: {  	s16 =	simm.s32 $0xB480;
	s17 =	simm.s32 $0x4000;
	s18 =	simm.s32 $0x5900  }
0x6: {  	s19 =	simm.s32 $0x6680;
	s20 =	simm.s32 $0x4C80;
	s21 =	simm.s32 $0x7400  }
0x7: {  	s22 =	simm.s32 $0x80;
	s23 =	simm.s32 $0x7480;
	s24 =	simm.s32 $0x1  }
0x8: {  	s25 =	simm.s32 $0x2;
	s28 =	simm.s32 $0xF480;
	s29 =	simm.s32 $0x3  }
0x9: {  	s30 =	simm.s32 $0x0;
	s2 =	sand.u32 $0x1, s2;
	s5 =	sshll.u32 s4, $0x1  }
0xa: {  	s4 =	simm.s32 $0x0;
	s7 =	sadd.s32 $0xA00, s0;
	s12 =	sadd.s32 $0x4159, s0  }
0xb: {  	s8 =	sor.u32 s2, s5;
	[smem:$0x7FF] =	sst s4;
	s2 =	ssub.s32 $0x2, s2  }
0xc: {  	s5 =	smul.u32 $0xC38, s8;
	_ =	strace $0x80000047;
	[dreg:$0x5] =	wrdreg s7  }
0xd: {  	s10 =	sshrl.u32 s2, $0x1;
	p0 =	seq.s32 s8, $0x1F;
	s8 =	simm.s32 $0xBD8  }
0xe: {  	s7 =	sadd.s32 $0x4400, s0;
	s2 =	ssub.s32 s2, s10;
	s8 =	simm.s32 @!p0 $0xC38  }
.Ltmp0:
0xf: {  	v3 =	vlaneseq.u32;
	s9 =	sshrl.u32 s5, $0x3;
	s26 =	sadd.s32 $0x78, s8;
	(pc) =	sbr.rel .LBB2_1-.Ltmp0, $4  }
0x10: {  	v4 =	vimm.s32 $0xFFFFFFFF;
	v5 =	vimm.s32 $0x0;
	v6 =	vor.u32 $0x10, v3;
	s10 =	sadd.s32 $0xFFFFFF80, s8;
	s11 =	sadd.s32 s9, s0;
	s9 =	sadd.s32 s6, s9  }
0x11: {  	v7 =	vor.u32 $0x20, v3;
	v8 =	vor.u32 $0x30, v3;
	v9 =	vor.u32 $0x40, v3;
	s31 =	sadd.s32 s5, s8;
	s6 =	sadd.s32 $0x2F59, s6;
	[dreg:$0x6] =	wrdreg s9  }
0x12: {  	v10 =	vor.u32 $0x50, v3;
	v11 =	vor.u32 $0x60, v3;
	v12 =	vor.u32 $0x70, v3;
	s13 =	smax.u32 s2, $0x1;
	[dreg:$0x7] =	wrdreg s6;
	s11 =	sadd.s32 $0x1200, s11  }
0x13: {  	v0 =	vmov s5;
	v2 =	vmov s8;
	s14 =	sand.u32 $0x1F80, s26;
	v1 =	vmov s31;
	s26 =	simm.s32 $0x13480;
	[dreg:$0x8] =	wrdreg s11  }
.LBB2_28:
0x14: {  	s0 =	simm.s32 @p0 $0x0;
	s2 =	simm.s32 @p0 $0x4C80  }
0x15: {  	[hbm4b:s12+s0] =	stream.linear.scatter @p0 [tilespmem:s2], [sflag:$0x4], $0xBD8, $0x38;
	[tilespmem:$0x13500] =	vst v63  }
0x16: {  	s0 =	simm.s32 @p0 $0x4  }
0x17: {  	s30 =	sadd.s32 $0x1, s30;
	_ =	swait.ge @p0 [sflag:s0], $0xBD8  }
0x18: {  	s2 =	simm.s32 @!p0 $0x4C80;
	p1 =	sne.s32 s30, s13;
	[sflag:s0] =	ssyncset.done @p0 $0x0  }
0x19: {  	s6 =	rddreg [dreg:$0x8];
	[sflag:s0] =	ssyncadd.s32 @p0 $0xFFFFF428;
	s0 =	simm.s32 @!p0 $0x0  }
0x1a: {  	[hbm4b:s6+s0] =	stream.linear.scatter @!p0 [tilespmem:s2], [sflag:$0x4], $0xC38, $0x38;
	[tilespmem:$0x13500] =	vst v63  }
.Ltmp1:
0x1b: {  	_ = 	snop;
	(pc) =	sbr.rel @!p1 .LBB2_29-.Ltmp1, $4  }
0x1c: {  	s0 =	simm.s32 @!p0 $0x4  }
0x1d: {  	_ =	swait.ge @!p0 [sflag:s0], $0xC38  }
0x1e: {  	[sflag:s0] =	ssyncset.done @!p0 $0x0  }
0x1f: {  	[sflag:s0] =	ssyncadd.s32 @!p0 $0xFFFFF3C8  }
.LBB2_1:
0x20: {  	s0 =	rddreg [dreg:$0x5]  }
0x21: {  	[tilespmem:s4], [sflag:$0x4] =	stream.linear.gather [hbm4b:s0+s4], $0x4000, $0x38;
	[tilespmem:$0x13500] =	vst v63  }
0x22: {  	_ =	swait.ge [sflag:s15], $0x4000  }
0x23: {  	s2 =	simm.s32 @p0 $0x4C80;
	[sflag:s15] =	ssyncset.done $0x0  }
0x24: {  	s0 =	simm.s32 @p0 $0x0;
	s6 =	rddreg [dreg:$0x7];
	[sflag:s15] =	ssyncadd.s32 $0xFFFFC000  }
0x25: {  	[tilespmem:s2], [sflag:$0x4] =	stream.linear.gather @p0 [hbm4b:s6+s0], $0xBD8, $0x38;
	[tilespmem:$0x13500] =	vst v63  }
0x26: {  	s0 =	simm.s32 @p0 $0x4  }
0x27: {  	_ =	swait.ge @p0 [sflag:s0], $0xBD8  }
0x28: {  	p2 =	sne.s32 s14, $0x80;
	s2 =	simm.s32 @!p0 $0x4C80;
	[sflag:s0] =	ssyncset.done @p0 $0x0  }
0x29: {  	s6 =	rddreg [dreg:$0x6];
	[sflag:s0] =	ssyncadd.s32 @p0 $0xFFFFF428;
	s0 =	simm.s32 @!p0 $0x0  }
0x2a: {  	[tilespmem:s2], [sflag:$0x4] =	stream.linear.gather @!p0 [hbm4b:s6+s0], $0xC38, $0x38;
	[tilespmem:$0x13500] =	vst v63  }
.Ltmp2:
0x2b: {  	_ = 	snop;
	(pc) =	sbr.rel @!p2 .LBB2_4-.Ltmp2, $4  }
0x2c: {  	s0 =	simm.s32 @!p0 $0x4  }
0x2d: {  	p1 =	sgt.s32 s10, $0x0;
	s2 =	smov.u32 s10;
	_ =	swait.ge @!p0 [sflag:s0], $0xC38  }
0x2e: {  	s8 =	simm.s32 $0x80;
	s2 =	smov.u32 @p1 s4;
	[sflag:s0] =	ssyncset.done @!p0 $0x0  }
0x2f: {  	p1 =	por $0x0, $0x0;
	s6 =	sadd.s32 s5, s2;
	[sflag:s0] =	ssyncadd.s32 @!p0 $0xFFFFF3C8  }
0x30: {  	s6 =	sshll.u32 s6, $0x4  }
0x31: {  	s0 =	simm.s32 $0x0;
	s2 =	sadd.s32 s3, s6  }
0x32: {  	[tilespmem:s16], [sflag:$0x4] =	stream.linear.gather [hbm4b:s2+s0], $0x4000, $0x38;
	[tilespmem:$0x13500] =	vst v63  }
0x33: {  	_ =	swait.ge [sflag:s15], $0x4000  }
0x34: {  	p2 =	sne.s32 s14, $0x100;
	[sflag:s15] =	ssyncset.done $0x0  }
.Ltmp3:
0x35: {  	s6 =	sadd.s32 s7, s6;
	[sflag:s15] =	ssyncadd.s32 $0xFFFFC000;
	(pc) =	sbr.rel @!p2 .LBB2_4-.Ltmp3, $4  }
0x36: {  	[hbm4b:s6+s0] =	stream.linear.scatter [tilespmem:s16], [sflag:$0x4], $0x4000, $0x38;
	[tilespmem:$0x13500] =	vst v63  }
0x37: {  	p1 =	sgt.s32 s10, $0x80;
	s6 =	smov.u32 s10  }
0x38: {  	s2 =	simm.s32 $0x100;
	s6 =	smov.u32 @p1 s8;
	_ =	swait.ge [sflag:s15], $0x4000  }
0x39: {  	p1 =	por $0x1, $0x1;
	s6 =	sadd.s32 s5, s6;
	[sflag:s15] =	ssyncset.done $0x0  }
.LBB2_3:
0x3a: {  	s6 =	sshll.u32 s6, $0x4  }
0x3b: {  	[sflag:s15] =	ssyncadd.s32 $0xFFFFC000;
	s8 =	smov.u32 s2;
	s2 =	sadd.s32 $0x80, s2  }
0x3c: {  	p2 =	sne.s32 s14, s2;
	s9 =	sadd.s32 s3, s6  }
0x3d: {  	[tilespmem:s16], [sflag:$0x4] =	stream.linear.gather [hbm4b:s9+s0], $0x4000, $0x38;
	[tilespmem:$0x13500] =	vst v63  }
0x3e: {  	_ =	swait.ge [sflag:s15], $0x4000  }
0x3f: {  	p3 =	slt.s32 s8, s10;
	[sflag:s15] =	ssyncset.done $0x0  }
.Ltmp4:
0x40: {  	s6 =	sadd.s32 s7, s6;
	[sflag:s15] =	ssyncadd.s32 $0xFFFFC000;
	(pc) =	sbr.rel @p2 .LBB2_3-.Ltmp4, $4  }
0x41: {  	[hbm4b:s6+s0] =	stream.linear.scatter [tilespmem:s16], [sflag:$0x4], $0x4000, $0x38;
	[tilespmem:$0x13500] =	vst v63  }
0x42: {  	s6 =	smov.u32 s10  }
0x43: {  	s6 =	smov.u32 @p3 s8;
	_ =	swait.ge [sflag:s15], $0x4000  }
0x44: {  	s6 =	sadd.s32 s5, s6;
	[sflag:s15] =	ssyncset.done $0x0  }
.LBB2_4:
0x45: {  	s2 =	sshll.u32 s6, $0x4  }
0x46: {  	[sflag:s15] =	ssyncadd.s32 @p1 $0xFFFFC000;
	s0 =	simm.s32 $0x0;
	s6 =	sadd.s32 s3, s2  }
0x47: {  	[tilespmem:s16], [sflag:$0x4] =	stream.linear.gather [hbm4b:s6+s0], $0x4000, $0x38;
	[tilespmem:$0x13500] =	vst v63  }
0x48: {  	_ =	swait.ge [sflag:s15], $0x4000  }
0x49: {  	p1 =	por $0x1, $0x1;
	[sflag:s15] =	ssyncset.done $0x0  }
.Ltmp5:
0x4a: {  	s2 =	sadd.s32 s7, s2;
	[sflag:s15] =	ssyncadd.s32 $0xFFFFC000;
	(pc) =	sbr.rel @!p1 .LBB2_6-.Ltmp5, $4  }
0x4b: {  	[hbm4b:s2+s0] =	stream.linear.scatter [tilespmem:s16], [sflag:$0x4], $0x4000, $0x38;
	[tilespmem:$0x13500] =	vst v63  }
0x4c: {  	_ =	swait.ge [sflag:s15], $0x4000  }
0x4d: {  	[sflag:s15] =	ssyncset.done $0x0  }
0x4e: {  	v13 =	vor.u32 s0, v3;
	s2 =	simm.s32 $0x10;
	[sflag:s15] =	ssyncadd.s32 $0xFFFFC000  }
.LBB2_5:
0x4f: {  	p1 =	sne.s32 s2, $0xC30  }
.Ltmp6:
0x50: {  	_ = 	snop;
	(pc) =	sbr.rel @p1 .LBB2_5-.Ltmp6, $3  }
0x51: {  	_ =	sdelay $0x1  }
0x52: {  	[tilespmem:v13+s17+$0x0] =	vst.idx.msk $0xffff, v4;
	s6 =	smov.u32 s2;
	s2 =	sadd.s32 $0x10, s2  }
0x53: {  	v13 =	vor.u32 s6, v3  }
.LBB2_6:
0x54: {  	_ =	sdelay $0x3  }
0x55: {  	[tilespmem:v13+s17+$0x0] =	vst.idx.msk $0xffff, v4  }
.LBB2_7:
0x56: {  	v13 =	vor.u32 s0, v3;
	_ =	sdelay $0x3  }
0x57: {  	s2 =	simm.s32 $0x0  }
0x58: {  	v14 =	vld.idx.msk [tilespmem:v13+s2+$0x0], $0xffff;
	_ =	sdelay $0x4  }
0x59: {  	vm0 =	vge.s32 v14, v0;
	vm1 =	vlt.s32 v14, v1  }
0x5a: {  	vm0 =	vmand vm0, vm1  }
0x5b: {  	p1 =	sne.s32 s0, $0x3FF0;
	v14 =	vsub.s32 v14, v0  }
.Ltmp7:
0x5c: {  	_ = 	snop;
	(pc) =	sbr.rel @p1 .LBB2_7-.Ltmp7, $2  }
0x5d: {  	_ =	sdelay $0x2  }
0x5e: {  	s0 =	sadd.s32 $0x10, s0;
	[tilespmem:v14+s17+$0x0] =	vst.idx.msk vm0, v13  }
0x5f: {  	v13 =	vor.u32 s2, v3;
	_ =	sdelay $0x4  }
0x60: {  	v14 =	vld.idx.msk [tilespmem:v13+s17+$0x0], $0xffff;
	_ =	sdelay $0x4  }
0x61: {  	vm1 =	vlt.u32 v13, v2;
	vm0 =	vgt.s32 v14, $0xFFFFFFFF  }
0x62: {  	vm0 =	vmand vm1, vm0  }
0x63: {  	v15 =	vsel vm0, $0x1, v5  }
0x64: {  	(xrf0) =	vadd.scan.msk.s32 $0xffff, v15;
	_ =	sdelay $0x4  }
0x65: {  	v16 =	vsel vm0, $0xFFFFFFFF, v5;
	v15 =	vimm.s32 $0x0  }
0x66: {  	v16 =	vadd.s32 v16, v15;
	v17, _, _ =	vpop (xrf0)  }
0x67: {  	v16 =	vadd.s32 v17, v16;
	_ =	sdelay $0x3  }
0x68: {  	v18 =	vadd.s32 v0, v13  }
0x69: {  	v17 =	vmpcnt.ones.xlane vm0;
	[tilespmem:v16+s18+$0x0] =	vst.idx.msk vm0, v18  }
0x6a: {  	[tilespmem:v16+s19+$0x0] =	vst.idx.msk vm0, v14  }
0x6b: {  	v15 =	vadd.s32 v15, v17;
	v17 =	vld.idx.msk [tilespmem:v13+s20+$0x0], vm0;
	_ =	sdelay $0x1  }
0x6c: {  	s0 =	simm.s32 $0x10  }
0x6d: {  	v16 =	vor.u32 s0, v3;
	s0 =	simm.s32 $0x20;
	v14 =	vmov v15  }
.LBB2_9:
0x6e: {  	p1 =	sne.s32 s0, $0xC30  }
0x6f: {  	v17 =	vadd.s32 $0x1, v17  }
0x70: {  	[tilespmem:v13+s20+$0x0] =	vst.idx.msk vm0, v17;
	v13 =	vmov v16  }
0x71: {  	v16 =	vld.idx.msk [tilespmem:v16+s17+$0x0], $0xffff;
	_ =	sdelay $0x5  }
0x72: {  	vm1 =	vlt.u32 v13, v2;
	vm0 =	vgt.s32 v16, $0xFFFFFFFF  }
0x73: {  	vm0 =	vmand vm1, vm0  }
0x74: {  	v17 =	vsel vm0, $0x1, v5;
	v18 =	vmpcnt.ones.xlane vm0  }
0x75: {  	(xrf0) =	vadd.scan.msk.s32 $0xffff, v17  }
0x76: {  	v15 =	vadd.s32 v15, v18;
	_ =	sdelay $0x3  }
0x77: {  	v17 =	vsel vm0, $0xFFFFFFFF, v5  }
0x78: {  	v17 =	vadd.s32 v17, v14;
	v14 =	vmov v15;
	v18, _, _ =	vpop (xrf0)  }
0x79: {  	v17 =	vadd.s32 v18, v17;
	_ =	sdelay $0x3  }
0x7a: {  	v18 =	vadd.s32 v0, v13  }
0x7b: {  	[tilespmem:v17+s18+$0x0] =	vst.idx.msk vm0, v18  }
0x7c: {  	[tilespmem:v17+s19+$0x0] =	vst.idx.msk vm0, v16  }
.Ltmp8:
0x7d: {  	v17 =	vld.idx.msk [tilespmem:v13+s20+$0x0], vm0;
	(pc) =	sbr.rel @p1 .LBB2_9-.Ltmp8, $3  }
0x7e: {  	_ =	sdelay $0x1  }
0x7f: {  	v16 =	vor.u32 s0, v3  }
0x80: {  	s0 =	sadd.s32 $0x10, s0  }
0x81: {  	_ =	sdelay $0x3  }
0x82: {  	v17 =	vadd.s32 $0x1, v17  }
0x83: {  	[tilespmem:v13+s20+$0x0] =	vst.idx.msk vm0, v17  }
0x84: {  	v13 =	vld.idx.msk [tilespmem:v16+s17+$0x0], $0xffff;
	_ =	sdelay $0x4  }
0x85: {  	vm1 =	vlt.u32 v16, v2;
	vm15 =	vgt.s32 v13, $0xFFFFFFFF  }
0x86: {  	vm0 =	vmand vm1, vm15  }
0x87: {  	v61 =	vmpcnt.ones.xlane vm0;
	_ =	sdelay $0x1  }
0x88: {  	v18 =	vsel vm0, $0x1, v5;
	v15 =	vadd.s32 v15, v61  }
0x89: {  	(xrf0) =	vadd.scan.msk.s32 $0xffff, v18;
	v15 =	vxor.u32 $0x80000000, v15  }
0x8a: {  	(xrf0) =	vmax.scan.msk.u32 $0xffff, v15;
	_ =	sdelay $0x4  }
0x8b: {  	v15, _, _ =	vpop (xrf0)  }
0x8c: {  	v62, _, _ =	vpop (xrf0)  }
0x8d: {  	(v2sf) =	vpush v62, $0xF;
	_ =	sdelay $0x7  }
0x8e: {  	v63 =	vsel vm0, $0xFFFFFFFF, v5  }
0x8f: {  	v14 =	vadd.s32 v63, v14  }
0x90: {  	v14 =	vadd.s32 v15, v14;
	_ =	sdelay $0x3  }
0x91: {  	v15 =	vadd.s32 v0, v16  }
0x92: {  	[tilespmem:v14+s18+$0x0] =	vst.idx.msk vm0, v15;
	s31 =	spop (v2sf)  }
0x93: {  	[tilespmem:v14+s19+$0x0] =	vst.idx.msk vm0, v13;
	s0 =	sadd.s32 $0x8000000F, s31  }
0x94: {  	v13 =	vld.idx.msk [tilespmem:v16+s20+$0x0], vm0;
	s0 =	sshrl.u32 s0, $0x4  }
0x95: {  	p1 =	seq.s32 s0, $0x0  }
.Ltmp9:
0x96: {  	_ = 	snop;
	(pc) =	sbr.rel @p1 .LBB2_16-.Ltmp9, $3  }
0x97: {  	_ =	sdelay $0x1  }
0x98: {  	v13 =	vadd.s32 $0x1, v13  }
0x99: {  	[tilespmem:v16+s20+$0x0] =	vst.idx.msk vm0, v13;
	s2 =	sxor.u32 $0x80000000, s31  }
0x9a: {  	p2 =	sne.s32 s0, $0x1  }
.Ltmp10:
0x9b: {  	_ = 	snop;
	(pc) =	sbr.rel @!p2 .LBB2_12-.Ltmp10, $3  }
0x9c: {  	_ =	sdelay $0x1  }
0x9d: {  	s6 =	simm.s32 $0x0  }
0x9e: {  	v13 =	vmov s2;
	p1 =	por $0x0, $0x0;
	v14 =	vor.u32 s6, v3;
	s6 =	sadd.s32 $0xFFFFFFFF, s0  }
0x9f: {  	vm0 =	vlt.s32 v14, v13;
	_ =	sdelay $0x5  }
0xa0: {  	v16 =	vld.idx.msk [tilespmem:v14+s19+$0x0], vm0;
	_ =	sdelay $0x4  }
0xa1: {  	v17 =	vand.u32 $0xFFFFFFF0, v16  }
0xa2: {  	vm0 =	vmmov vm0;
	v18 =	vor.u32 $0x1, v17  }
0xa3: {  	v19 =	vand.u32 $0xFFFFFF80, v16;
	v15 =	vand.u32 $0x71, v18  }
0xa4: {  	v20 =	vor.u32 v19, v15;
	_ =	sdelay $0x1  }
0xa5: {  	v21 =	vor.u32 $0x2, v17  }
0xa6: {  	v22 =	vand.u32 $0x72, v21  }
0xa7: {  	v15 =	vld.idx.msk [tilespmem:v14+s18+$0x0], vm0;
	v22 =	vor.u32 v19, v22  }
0xa8: {  	v20 =	vld.idx.msk [tilespmem:v20+s4+$0x0], vm0  }
0xa9: {  	v23 =	vor.u32 $0x3, v17  }
0xaa: {  	v24 =	vand.u32 $0x73, v23  }
0xab: {  	v24 =	vor.u32 v19, v24  }
0xac: {  	v22 =	vld.idx.msk [tilespmem:v22+s4+$0x0], vm0  }
0xad: {  	v25 =	vor.u32 $0x4, v17;
	vm2 =	veq.s32 v17, v16;
	vm1 =	veq.s32 v20, v15  }
0xae: {  	v20 =	vand.u32 $0x74, v25;
	vm1 =	vmand vm2, vm1  }
0xaf: {  	v20 =	vor.u32 v19, v20;
	vm1 =	vmand vm0, vm1  }
0xb0: {  	v24 =	vld.idx.msk [tilespmem:v24+s4+$0x0], vm0;
	v18 =	vsel vm1, v18, v16  }
0xb1: {  	v26 =	vor.u32 $0x5, v17;
	vm1 =	veq.s32 v22, v15;
	vm2 =	vgt.s32 v21, v18  }
0xb2: {  	v22 =	vand.u32 $0x75, v26;
	vm1 =	vmand vm1, vm2  }
0xb3: {  	v22 =	vor.u32 v19, v22;
	vm1 =	vmand vm0, vm1  }
0xb4: {  	v20 =	vld.idx.msk [tilespmem:v20+s4+$0x0], vm0;
	v18 =	vsel vm1, v21, v18  }
0xb5: {  	v21 =	vor.u32 $0x6, v17;
	vm1 =	veq.s32 v24, v15;
	vm2 =	vgt.s32 v23, v18  }
0xb6: {  	v57 =	vand.u32 $0x76, v21;
	vm1 =	vmand vm1, vm2  }
0xb7: {  	v24 =	vor.u32 v19, v57;
	vm1 =	vmand vm0, vm1  }
0xb8: {  	v22 =	vld.idx.msk [tilespmem:v22+s4+$0x0], vm0;
	v18 =	vsel vm1, v23, v18  }
0xb9: {  	v23 =	vor.u32 $0x7, v17;
	vm1 =	veq.s32 v20, v15;
	vm2 =	vgt.s32 v25, v18  }
0xba: {  	v20 =	vand.u32 $0x77, v23;
	vm1 =	vmand vm1, vm2  }
0xbb: {  	v20 =	vor.u32 v19, v20;
	vm1 =	vmand vm0, vm1  }
0xbc: {  	v24 =	vld.idx.msk [tilespmem:v24+s4+$0x0], vm0;
	v18 =	vsel vm1, v25, v18  }
0xbd: {  	v58 =	vor.u32 $0x8, v17;
	vm1 =	veq.s32 v22, v15;
	vm2 =	vgt.s32 v26, v18  }
0xbe: {  	v22 =	vand.u32 $0x78, v58;
	vm1 =	vmand vm1, vm2  }
0xbf: {  	v22 =	vor.u32 v19, v22;
	vm1 =	vmand vm0, vm1  }
0xc0: {  	v20 =	vld.idx.msk [tilespmem:v20+s4+$0x0], vm0;
	v18 =	vsel vm1, v26, v18  }
0xc1: {  	v59 =	vor.u32 $0x9, v17;
	vm1 =	veq.s32 v24, v15;
	vm2 =	vgt.s32 v21, v18  }
0xc2: {  	v60 =	vand.u32 $0x79, v59;
	vm1 =	vmand vm1, vm2  }
0xc3: {  	v24 =	vor.u32 v19, v60;
	vm1 =	vmand vm0, vm1  }
0xc4: {  	v22 =	vld.idx.msk [tilespmem:v22+s4+$0x0], vm0;
	v18 =	vsel vm1, v21, v18  }
0xc5: {  	v21 =	vor.u32 $0xA, v17;
	vm1 =	veq.s32 v20, v15;
	vm2 =	vgt.s32 v23, v18  }
0xc6: {  	v20 =	vand.u32 $0x7A, v21;
	vm1 =	vmand vm1, vm2  }
0xc7: {  	v20 =	vor.u32 v19, v20;
	vm1 =	vmand vm0, vm1  }
0xc8: {  	v24 =	vld.idx.msk [tilespmem:v24+s4+$0x0], vm0;
	v18 =	vsel vm1, v23, v18  }
0xc9: {  	v23 =	vor.u32 $0xB, v17;
	vm1 =	veq.s32 v22, v15;
	vm2 =	vgt.s32 v58, v18  }
0xca: {  	v22 =	vand.u32 $0x7B, v23;
	vm1 =	vmand vm1, vm2  }
0xcb: {  	v22 =	vor.u32 v19, v22;
	vm1 =	vmand vm0, vm1  }
0xcc: {  	v20 =	vld.idx.msk [tilespmem:v20+s4+$0x0], vm0;
	v18 =	vsel vm1, v58, v18  }
0xcd: {  	v61 =	vor.u32 $0xC, v17;
	vm1 =	veq.s32 v24, v15;
	vm2 =	vgt.s32 v59, v18  }
0xce: {  	v62 =	vand.u32 $0x7C, v61;
	vm1 =	vmand vm1, vm2  }
0xcf: {  	v24 =	vor.u32 v19, v62;
	vm1 =	vmand vm0, vm1  }
0xd0: {  	v22 =	vld.idx.msk [tilespmem:v22+s4+$0x0], vm0;
	v18 =	vsel vm1, v59, v18  }
0xd1: {  	v63 =	vor.u32 $0xD, v17;
	vm1 =	veq.s32 v20, v15;
	vm2 =	vgt.s32 v21, v18  }
0xd2: {  	v20 =	vand.u32 $0x7D, v63;
	vm1 =	vmand vm1, vm2  }
0xd3: {  	v20 =	vor.u32 v19, v20;
	vm1 =	vmand vm0, vm1  }
0xd4: {  	v24 =	vld.idx.msk [tilespmem:v24+s4+$0x0], vm0;
	v21 =	vsel vm1, v21, v18;
	v18 =	vor.u32 $0xE, v17  }
0xd5: {  	vm1 =	veq.s32 v22, v15;
	vm2 =	vgt.s32 v23, v21;
	v17 =	vand.u32 $0x7E, v18  }
0xd6: {  	vm1 =	vmand vm1, vm2;
	v17 =	vor.u32 v19, v17  }
0xd7: {  	vm1 =	vmand vm0, vm1  }
0xd8: {  	v19 =	vld.idx.msk [tilespmem:v20+s4+$0x0], vm0;
	v20 =	vsel vm1, v23, v21  }
0xd9: {  	vm1 =	veq.s32 v24, v15;
	vm2 =	vgt.s32 v61, v20  }
0xda: {  	vm1 =	vmand vm1, vm2  }
0xdb: {  	vm1 =	vmand vm0, vm1;
	v21 =	vld.idx.msk [tilespmem:v17+s4+$0x0], vm0;
	v17 =	vor.u32 $0xF, v16  }
0xdc: {  	v20 =	vsel vm1, v61, v20  }
0xdd: {  	vm1 =	veq.s32 v19, v15;
	vm2 =	vgt.s32 v63, v20  }
0xde: {  	p2 =	sne.s32 s6, $0x1;
	vm1 =	vmand vm1, vm2  }
.Ltmp11:
0xdf: {  	vm1 =	vmand vm0, vm1;
	(pc) =	sbr.rel @!p2 .LBB2_15-.Ltmp11, $4  }
0xe0: {  	v19 =	vsel vm1, v63, v20;
	v20 =	vld.idx.msk [tilespmem:v17+s4+$0x0], vm0  }
0xe1: {  	vm1 =	veq.s32 v21, v15;
	vm2 =	vgt.s32 v18, v19  }
0xe2: {  	s0 =	simm.s32 $0x10;
	vm1 =	vmand vm1, vm2  }
0xe3: {  	s6 =	sadd.s32 $0xFFFFFFFF, s6;
	p1 =	por $0x1, $0x1;
	v16 =	vor.u32 s0, v3;
	vm1 =	vmand vm0, vm1  }
.LBB2_14:
0xe4: {  	p2 =	sne.s32 s6, $0x1;
	vm2 =	vlt.s32 v16, v13;
	v18 =	vsel vm1, v18, v19  }
0xe5: {  	vm1 =	veq.s32 v20, v15;
	vm3 =	vgt.s32 v17, v18  }
0xe6: {  	vm1 =	vmand vm1, vm3  }
0xe7: {  	vm1 =	vmand vm0, vm1  }
0xe8: {  	v15 =	vsel vm1, v17, v18  }
0xe9: {  	[tilespmem:v14+s19+$0x0] =	vst.idx.msk vm0, v15;
	v14 =	vmov v16;
	vm0 =	vmmov vm2  }
0xea: {  	v16 =	vld.idx.msk [tilespmem:v16+s19+$0x0], vm2;
	_ =	sdelay $0x5  }
0xeb: {  	v18 =	vand.u32 $0xFFFFFFF0, v16  }
0xec: {  	v19 =	vor.u32 $0x1, v18  }
0xed: {  	v17 =	vand.u32 $0xFFFFFF80, v16;
	v15 =	vand.u32 $0x71, v19  }
0xee: {  	v20 =	vor.u32 v17, v15;
	_ =	sdelay $0x1  }
0xef: {  	v21 =	vor.u32 $0x2, v18  }
0xf0: {  	v22 =	vand.u32 $0x72, v21  }
0xf1: {  	v22 =	vor.u32 v17, v22;
	v15 =	vld.idx.msk [tilespmem:v14+s18+$0x0], vm2  }
0xf2: {  	v20 =	vld.idx.msk [tilespmem:v20+s4+$0x0], vm2  }
0xf3: {  	v23 =	vor.u32 $0x3, v18  }
0xf4: {  	v24 =	vand.u32 $0x73, v23  }
0xf5: {  	v24 =	vor.u32 v17, v24  }
0xf6: {  	v22 =	vld.idx.msk [tilespmem:v22+s4+$0x0], vm2  }
0xf7: {  	v25 =	vor.u32 $0x4, v18  }
0xf8: {  	vm2 =	veq.s32 v18, v16;
	vm1 =	veq.s32 v20, v15;
	v20 =	vand.u32 $0x74, v25  }
0xf9: {  	vm1 =	vmand vm2, vm1;
	v20 =	vor.u32 v17, v20  }
0xfa: {  	vm1 =	vmand vm0, vm1;
	v24 =	vld.idx.msk [tilespmem:v24+s4+$0x0], vm0  }
0xfb: {  	v26 =	vor.u32 $0x5, v18;
	v19 =	vsel vm1, v19, v16  }
0xfc: {  	vm1 =	veq.s32 v22, v15;
	vm2 =	vgt.s32 v21, v19;
	v22 =	vand.u32 $0x75, v26  }
0xfd: {  	vm1 =	vmand vm1, vm2;
	v22 =	vor.u32 v17, v22  }
0xfe: {  	vm1 =	vmand vm0, vm1;
	v20 =	vld.idx.msk [tilespmem:v20+s4+$0x0], vm0  }
0xff: {  	v19 =	vsel vm1, v21, v19;
	v21 =	vor.u32 $0x6, v18  }
0x100: {  	vm1 =	veq.s32 v24, v15;
	vm2 =	vgt.s32 v23, v19;
	v24 =	vand.u32 $0x76, v21  }
0x101: {  	vm1 =	vmand vm1, vm2;
	v24 =	vor.u32 v17, v24  }
0x102: {  	vm1 =	vmand vm0, vm1;
	v22 =	vld.idx.msk [tilespmem:v22+s4+$0x0], vm0  }
0x103: {  	v19 =	vsel vm1, v23, v19;
	v23 =	vor.u32 $0x7, v18  }
0x104: {  	vm1 =	veq.s32 v20, v15;
	vm2 =	vgt.s32 v25, v19;
	v20 =	vand.u32 $0x77, v23  }
0x105: {  	vm1 =	vmand vm1, vm2;
	v20 =	vor.u32 v17, v20  }
0x106: {  	vm1 =	vmand vm0, vm1;
	v24 =	vld.idx.msk [tilespmem:v24+s4+$0x0], vm0  }
0x107: {  	v19 =	vsel vm1, v25, v19;
	v25 =	vor.u32 $0x8, v18  }
0x108: {  	vm1 =	veq.s32 v22, v15;
	vm2 =	vgt.s32 v26, v19;
	v22 =	vand.u32 $0x78, v25  }
0x109: {  	vm1 =	vmand vm1, vm2;
	v22 =	vor.u32 v17, v22  }
0x10a: {  	vm1 =	vmand vm0, vm1;
	v20 =	vld.idx.msk [tilespmem:v20+s4+$0x0], vm0  }
0x10b: {  	v19 =	vsel vm1, v26, v19;
	v26 =	vor.u32 $0x9, v18  }
0x10c: {  	vm1 =	veq.s32 v24, v15;
	vm2 =	vgt.s32 v21, v19;
	v24 =	vand.u32 $0x79, v26  }
0x10d: {  	vm1 =	vmand vm1, vm2;
	v24 =	vor.u32 v17, v24  }
0x10e: {  	vm1 =	vmand vm0, vm1;
	v22 =	vld.idx.msk [tilespmem:v22+s4+$0x0], vm0  }
0x10f: {  	v19 =	vsel vm1, v21, v19;
	v21 =	vor.u32 $0xA, v18  }
0x110: {  	vm1 =	veq.s32 v20, v15;
	vm2 =	vgt.s32 v23, v19;
	v20 =	vand.u32 $0x7A, v21  }
0x111: {  	vm1 =	vmand vm1, vm2;
	v20 =	vor.u32 v17, v20  }
0x112: {  	vm1 =	vmand vm0, vm1;
	v24 =	vld.idx.msk [tilespmem:v24+s4+$0x0], vm0  }
0x113: {  	v19 =	vsel vm1, v23, v19;
	v23 =	vor.u32 $0xB, v18  }
0x114: {  	vm1 =	veq.s32 v22, v15;
	vm2 =	vgt.s32 v25, v19;
	v22 =	vand.u32 $0x7B, v23  }
0x115: {  	vm1 =	vmand vm1, vm2;
	v22 =	vor.u32 v17, v22  }
0x116: {  	vm1 =	vmand vm0, vm1;
	v20 =	vld.idx.msk [tilespmem:v20+s4+$0x0], vm0  }
0x117: {  	v19 =	vsel vm1, v25, v19;
	v25 =	vor.u32 $0xC, v18  }
0x118: {  	vm1 =	veq.s32 v24, v15;
	vm2 =	vgt.s32 v26, v19;
	v24 =	vand.u32 $0x7C, v25  }
0x119: {  	vm1 =	vmand vm1, vm2;
	v24 =	vor.u32 v17, v24  }
0x11a: {  	vm1 =	vmand vm0, vm1;
	v22 =	vld.idx.msk [tilespmem:v22+s4+$0x0], vm0  }
0x11b: {  	v19 =	vsel vm1, v26, v19;
	v26 =	vor.u32 $0xD, v18  }
0x11c: {  	vm1 =	veq.s32 v20, v15;
	vm2 =	vgt.s32 v21, v19;
	v20 =	vand.u32 $0x7D, v26  }
0x11d: {  	vm1 =	vmand vm1, vm2;
	v20 =	vor.u32 v17, v20  }
0x11e: {  	vm1 =	vmand vm0, vm1;
	v24 =	vld.idx.msk [tilespmem:v24+s4+$0x0], vm0  }
0x11f: {  	v18 =	vor.u32 $0xE, v18;
	v19 =	vsel vm1, v21, v19  }
0x120: {  	v21 =	vand.u32 $0x7E, v18;
	vm1 =	veq.s32 v22, v15;
	vm2 =	vgt.s32 v23, v19  }
0x121: {  	v21 =	vor.u32 v17, v21;
	vm1 =	vmand vm1, vm2  }
0x122: {  	vm1 =	vmand vm0, vm1;
	v20 =	vld.idx.msk [tilespmem:v20+s4+$0x0], vm0  }
0x123: {  	v19 =	vsel vm1, v23, v19  }
0x124: {  	vm1 =	veq.s32 v24, v15;
	vm2 =	vgt.s32 v25, v19  }
0x125: {  	v17 =	vor.u32 $0xF, v16;
	vm1 =	vmand vm1, vm2  }
0x126: {  	vm1 =	vmand vm0, vm1;
	v16 =	vld.idx.msk [tilespmem:v21+s4+$0x0], vm0  }
0x127: {  	v19 =	vsel vm1, v25, v19  }
0x128: {  	vm1 =	veq.s32 v20, v15;
	vm2 =	vgt.s32 v26, v19  }
0x129: {  	vm1 =	vmand vm1, vm2  }
.Ltmp12:
0x12a: {  	vm1 =	vmand vm0, vm1;
	v20 =	vld.idx.msk [tilespmem:v17+s4+$0x0], vm0;
	(pc) =	sbr.rel @p2 .LBB2_14-.Ltmp12, $4  }
0x12b: {  	v19 =	vsel vm1, v26, v19  }
0x12c: {  	vm1 =	veq.s32 v16, v15;
	vm2 =	vgt.s32 v18, v19  }
0x12d: {  	s0 =	sadd.s32 $0x10, s0;
	vm1 =	vmand vm1, vm2  }
0x12e: {  	s6 =	sadd.s32 $0xFFFFFFFF, s6;
	v16 =	vor.u32 s0, v3;
	vm1 =	vmand vm0, vm1  }
.LBB2_15:
0x12f: {  	vm2 =	vlt.s32 v16, v13;
	v13 =	vsel @p1 vm1, v18, v19  }
0x130: {  	vm1 =	veq.s32 @p1 v20, v15;
	vm3 =	vgt.s32 @p1 v17, v13  }
0x131: {  	vm1 =	vmand @p1 vm1, vm3  }
0x132: {  	vm1 =	vmand @p1 vm0, vm1  }
0x133: {  	v13 =	vsel @p1 vm1, v17, v13  }
0x134: {  	[tilespmem:v14+s19+$0x0] =	vst.idx.msk @p1 vm0, v13  }
0x135: {  	v13 =	vld.idx.msk [tilespmem:v16+s19+$0x0], vm2;
	_ =	sdelay $0x4  }
0x136: {  	v14 =	vand.u32 $0xFFFFFFF0, v13  }
0x137: {  	v15 =	vor.u32 $0x1, v14  }
0x138: {  	v40 =	vand.u32 $0xFFFFFF80, v13;
	v41 =	vand.u32 $0x71, v15  }
0x139: {  	v18 =	vor.u32 v40, v41;
	_ =	sdelay $0x1  }
0x13a: {  	v42 =	vor.u32 $0x2, v14  }
0x13b: {  	v43 =	vand.u32 $0x72, v42  }
0x13c: {  	v21 =	vld.idx.msk [tilespmem:v16+s18+$0x0], vm2;
	v20 =	vor.u32 v40, v43  }
0x13d: {  	v18 =	vld.idx.msk [tilespmem:v18+s4+$0x0], vm2  }
0x13e: {  	v22 =	vor.u32 $0x3, v14  }
0x13f: {  	vm0 =	vmmov vm2;
	v23 =	vand.u32 $0x73, v22  }
0x140: {  	v23 =	vor.u32 v40, v23  }
0x141: {  	v20 =	vld.idx.msk [tilespmem:v20+s4+$0x0], vm2  }
0x142: {  	v24 =	vor.u32 $0x4, v14;
	vm11 =	veq.s32 v14, v13;
	vm10 =	veq.s32 v18, v21  }
0x143: {  	v44 =	vand.u32 $0x74, v24;
	vm1 =	vmand vm11, vm10  }
0x144: {  	v18 =	vor.u32 v40, v44;
	vm1 =	vmand vm0, vm1  }
0x145: {  	v23 =	vld.idx.msk [tilespmem:v23+s4+$0x0], vm0;
	v15 =	vsel vm1, v15, v13  }
0x146: {  	v25 =	vor.u32 $0x5, v14;
	vm12 =	veq.s32 v20, v21;
	vm13 =	vgt.s32 v42, v15  }
0x147: {  	v45 =	vand.u32 $0x75, v25;
	vm1 =	vmand vm12, vm13  }
0x148: {  	v20 =	vor.u32 v40, v45;
	vm1 =	vmand vm0, vm1  }
0x149: {  	v18 =	vld.idx.msk [tilespmem:v18+s4+$0x0], vm0;
	v15 =	vsel vm1, v42, v15  }
0x14a: {  	v46 =	vor.u32 $0x6, v14;
	vm14 =	veq.s32 v23, v21;
	vm15 =	vgt.s32 v22, v15  }
0x14b: {  	v47 =	vand.u32 $0x76, v46;
	vm1 =	vmand vm14, vm15  }
0x14c: {  	v23 =	vor.u32 v40, v47;
	vm1 =	vmand vm0, vm1  }
0x14d: {  	v20 =	vld.idx.msk [tilespmem:v20+s4+$0x0], vm0;
	v15 =	vsel vm1, v22, v15  }
0x14e: {  	v48 =	vor.u32 $0x7, v14;
	vm4 =	veq.s32 v18, v21;
	vm5 =	vgt.s32 v24, v15  }
0x14f: {  	v49 =	vand.u32 $0x77, v48;
	vm1 =	vmand vm4, vm5  }
0x150: {  	v18 =	vor.u32 v40, v49;
	vm1 =	vmand vm0, vm1  }
0x151: {  	v23 =	vld.idx.msk [tilespmem:v23+s4+$0x0], vm0;
	v15 =	vsel vm1, v24, v15  }
0x152: {  	v50 =	vor.u32 $0x8, v14;
	vm6 =	veq.s32 v20, v21;
	vm7 =	vgt.s32 v25, v15  }
0x153: {  	v51 =	vand.u32 $0x78, v50;
	vm1 =	vmand vm6, vm7  }
0x154: {  	v20 =	vor.u32 v40, v51;
	vm1 =	vmand vm0, vm1  }
0x155: {  	v18 =	vld.idx.msk [tilespmem:v18+s4+$0x0], vm0;
	v15 =	vsel vm1, v25, v15  }
0x156: {  	v52 =	vor.u32 $0x9, v14;
	vm8 =	veq.s32 v23, v21;
	vm9 =	vgt.s32 v46, v15  }
0x157: {  	v53 =	vand.u32 $0x79, v52;
	vm1 =	vmand vm8, vm9  }
0x158: {  	v23 =	vor.u32 v40, v53;
	vm1 =	vmand vm0, vm1  }
0x159: {  	v20 =	vld.idx.msk [tilespmem:v20+s4+$0x0], vm0;
	v15 =	vsel vm1, v46, v15  }
0x15a: {  	v54 =	vor.u32 $0xA, v14;
	vm10 =	veq.s32 v18, v21;
	vm11 =	vgt.s32 v48, v15  }
0x15b: {  	v55 =	vand.u32 $0x7A, v54;
	vm1 =	vmand vm10, vm11  }
0x15c: {  	v18 =	vor.u32 v40, v55;
	vm1 =	vmand vm0, vm1  }
0x15d: {  	v23 =	vld.idx.msk [tilespmem:v23+s4+$0x0], vm0;
	v15 =	vsel vm1, v48, v15  }
0x15e: {  	v56 =	vor.u32 $0xB, v14;
	vm12 =	veq.s32 v20, v21;
	vm13 =	vgt.s32 v50, v15  }
0x15f: {  	v57 =	vand.u32 $0x7B, v56;
	vm1 =	vmand vm12, vm13  }
0x160: {  	v20 =	vor.u32 v40, v57;
	vm1 =	vmand vm0, vm1  }
0x161: {  	v18 =	vld.idx.msk [tilespmem:v18+s4+$0x0], vm0;
	v15 =	vsel vm1, v50, v15  }
0x162: {  	v58 =	vor.u32 $0xC, v14;
	vm14 =	veq.s32 v23, v21;
	vm15 =	vgt.s32 v52, v15  }
0x163: {  	v59 =	vand.u32 $0x7C, v58;
	vm1 =	vmand vm14, vm15  }
0x164: {  	v23 =	vor.u32 v40, v59;
	vm1 =	vmand vm0, vm1  }
0x165: {  	v20 =	vld.idx.msk [tilespmem:v20+s4+$0x0], vm0;
	v15 =	vsel vm1, v52, v15  }
0x166: {  	v60 =	vor.u32 $0xD, v14;
	vm4 =	veq.s32 v18, v21;
	vm5 =	vgt.s32 v54, v15  }
0x167: {  	v61 =	vand.u32 $0x7D, v60;
	vm1 =	vmand vm4, vm5  }
0x168: {  	v18 =	vor.u32 v40, v61;
	vm1 =	vmand vm0, vm1  }
0x169: {  	v23 =	vld.idx.msk [tilespmem:v23+s4+$0x0], vm0;
	v15 =	vsel vm1, v54, v15  }
0x16a: {  	v14 =	vor.u32 $0xE, v14;
	vm6 =	veq.s32 v20, v21;
	vm7 =	vgt.s32 v56, v15  }
0x16b: {  	v62 =	vand.u32 $0x7E, v14;
	vm1 =	vmand vm6, vm7  }
0x16c: {  	v17 =	vor.u32 v40, v62;
	vm1 =	vmand vm0, vm1  }
0x16d: {  	v18 =	vld.idx.msk [tilespmem:v18+s4+$0x0], vm0;
	v15 =	vsel vm1, v56, v15  }
0x16e: {  	vm8 =	veq.s32 v23, v21;
	vm9 =	vgt.s32 v58, v15  }
0x16f: {  	vm1 =	vmand vm8, vm9  }
0x170: {  	v13 =	vor.u32 $0xF, v13;
	vm1 =	vmand vm0, vm1  }
0x171: {  	v17 =	vld.idx.msk [tilespmem:v17+s4+$0x0], vm0;
	v15 =	vsel vm1, v58, v15  }
0x172: {  	vm10 =	veq.s32 v18, v21;
	vm11 =	vgt.s32 v60, v15  }
0x173: {  	vm1 =	vmand vm10, vm11  }
0x174: {  	vm1 =	vmand vm0, vm1  }
0x175: {  	v63 =	vld.idx.msk [tilespmem:v13+s4+$0x0], vm0;
	v15 =	vsel vm1, v60, v15  }
0x176: {  	vm12 =	veq.s32 v17, v21;
	vm13 =	vgt.s32 v14, v15  }
0x177: {  	vm1 =	vmand vm12, vm13  }
0x178: {  	vm1 =	vmand vm0, vm1  }
0x179: {  	v14 =	vsel vm1, v14, v15  }
0x17a: {  	vm14 =	veq.s32 v63, v21;
	vm15 =	vgt.s32 v13, v14  }
0x17b: {  	vm1 =	vmand vm14, vm15  }
0x17c: {  	vm1 =	vmand vm0, vm1  }
0x17d: {  	v13 =	vsel vm1, v13, v14  }
0x17e: {  	[tilespmem:v16+s19+$0x0] =	vst.idx.msk vm0, v13  }
.LBB2_16:
0x17f: {  	p1 =	slt.s32 s2, $0x1  }
.Ltmp13:
0x180: {  	_ = 	snop;
	(pc) =	sbr.rel @p1 .LBB2_20-.Ltmp13, $1  }
0x181: {  	_ =	sdelay $0x3  }
0x182: {  	s0 =	sand.u32 $0x7FFFFFF0, s31  }
0x183: {  	s6 =	sadd.s32 $0x0, s0  }
0x184: {  	v14 =	vmov s2;
	v13 =	vor.u32 s6, v3  }
0x185: {  	v15 =	vld.msk [tilespmem:s18+$0x0], $0xffff;
	vm0 =	vge.s32 v13, v14  }
0x186: {  	v16 =	vld.msk [tilespmem:s19+$0x0], $0xffff;
	s2 =	simm.s32 $0x10;
	vm1 =	vmmov vm0  }
.LBB2_18:
0x187: {  	p1 =	sne.s32 s2, $0x80  }
.Ltmp14:
0x188: {  	_ = 	snop;
	(pc) =	sbr.rel @p1 .LBB2_18-.Ltmp14, $4  }
0x189: {  	s6 =	sadd.s32 s2, s0  }
0x18a: {  	v17 =	vor.u32 s6, v3  }
0x18b: {  	[tilespmem:v13+s18+$0x0] =	vst.idx.msk vm0, v15;
	vm0 =	vge.s32 v17, v14  }
0x18c: {  	s2 =	sadd.s32 $0x10, s2;
	[tilespmem:v13+s19+$0x0] =	vst.idx.msk vm1, v16;
	v13 =	vmov v17;
	vm1 =	vmmov vm0  }
0x18d: {  	_ =	sdelay $0x4  }
0x18e: {  	[tilespmem:v13+s18+$0x0] =	vst.idx.msk vm0, v15  }
0x18f: {  	[tilespmem:v13+s19+$0x0] =	vst.idx.msk vm1, v16  }
.LBB2_20:
0x190: {  	s0 =	sadd.s32 $0x8000007F, s31  }
0x191: {  	s2 =	sshrl.u32 s0, $0x7  }
0x192: {  	p1 =	seq.s32 s2, $0x0  }
.Ltmp15:
0x193: {  	_ = 	snop;
	(pc) =	sbr.rel @p1 .LBB2_28-.Ltmp15, $2  }
0x194: {  	_ =	sdelay $0x2  }
0x195: {  	s31 =	simm.s32 $0x0;
	s6 =	simm.s32 $0x0;
	s0 =	simm.s32 $0x0  }
.LBB2_21:
0x196: {  	s8 =	sadd.s32 $0x0, s0  }
0x197: {  	v13 =	vor.u32 s8, v3;
	_ =	sdelay $0x4  }
0x198: {  	s11 =	sadd.s32 $0x10, s0;
	s9 =	simm.s32 $0x20;
	v14 =	vor.u32 s31, v3;
	s8 =	simm.s32 $0x10;
	v13 =	vld.idx.msk [tilespmem:v13+s18+$0x0], $0xffff  }
.LBB2_22:
0x199: {  	p1 =	sne.s32 s9, $0x70;
	v15 =	vor.u32 s11, v3;
	_ =	sdelay $0x1  }
.Ltmp16:
0x19a: {  	(pc) =	sbr.rel @p1 .LBB2_22-.Ltmp16, $4  }
0x19b: {  	_ = 	snop  }
0x19c: {  	[tilespmem:v14+s21+$0x0] =	vst.idx.msk $0xffff, v13  }
0x19d: {  	v13 =	vld.idx.msk [tilespmem:v15+s18+$0x0], $0xffff  }
0x19e: {  	s11 =	sadd.s32 s9, s0;
	v14 =	vor.u32 s8, v3;
	s8 =	smov.u32 s9;
	s9 =	sadd.s32 $0x10, s9  }
0x19f: {  	v15 =	vor.u32 s11, v3;
	_ =	sdelay $0x3  }
0x1a0: {  	[tilespmem:v14+s21+$0x0] =	vst.idx.msk $0xffff, v13  }
0x1a1: {  	v14 =	vor.u32 s8, v3;
	v13 =	vld.idx.msk [tilespmem:v15+s18+$0x0], $0xffff;
	_ =	sdelay $0x2  }
0x1a2: {  	s11 =	sshll.u32 s6, $0x9  }
0x1a3: {  	s8 =	sshra.s32 s11, $0x2  }
0x1a4: {  	s8 =	sadd.s32 $0x6680, s8;
	[tilespmem:v14+s21+$0x0] =	vst.idx.msk $0xffff, v13  }
0x1a5: {  	[tilespmem:s23], [sflag:$0x1] =	stream.indirect.gather [hbm4b:s1+s22], $0x80, s8, s22, $0xb8;
	[tilespmem:$0x13500] =	vst v63  }
0x1a6: {  	_ = 	snop  }
0x1a7: {  	[tilespmem:s16], [sflag:$0x2] =	stream.indirect.gather [hbm4b:s3+s22], $0x80, s21, s22, $0xb8;
	[tilespmem:$0x13500] =	vst v63  }
0x1a8: {  	s8 =	simm.s32 $0x0;
	_ =	swait.ge [sflag:s24], $0x4000  }
0x1a9: {  	v13 =	vor.u32 s8, v3;
	[sflag:s24] =	ssyncset.done $0x0  }
0x1aa: {  	[sflag:s24] =	ssyncadd.s32 $0xFFFFC000  }
0x1ab: {  	_ =	swait.ge [sflag:s25], $0x4000  }
0x1ac: {  	[sflag:s25] =	ssyncset.done $0x0  }
0x1ad: {  	[sflag:s25] =	ssyncadd.s32 $0xFFFFC000  }
0x1ae: {  	v14 =	vld.idx.msk [tilespmem:v13+s21+$0x0], $0xffff;
	_ =	sdelay $0x4  }
0x1af: {  	v14 =	vsub.s32 v14, v0;
	_ =	sdelay $0x4  }
0x1b0: {  	v14 =	vld.idx.msk [tilespmem:v14+s20+$0x0], $0xffff;
	_ =	sdelay $0x4  }
0x1b1: {  	v14 =	vcvt.s32.f32 v14;
	_ =	sdelay $0x1  }
0x1b2: {  	(erf) = vrcp.f32 v14;
	_ =	sdelay $0x4  }
0x1b3: {  	s9 =	simm.s32 $0x10  }
0x1b4: {  	v14 =	vor.u32 s9, v3;
	s9 =	simm.s32 $0x20  }
.LBB2_24:
0x1b5: {  	p1 =	sne.s32 s9, $0x70;
	_ =	sdelay $0x1  }
0x1b6: {  	v15 =	vpop (erf)  }
0x1b7: {  	[tilespmem:v13+s26+$0x0] =	vst.idx.msk $0xffff, v15;
	v13 =	vmov v14  }
0x1b8: {  	v14 =	vld.idx.msk [tilespmem:v14+s21+$0x0], $0xffff;
	_ =	sdelay $0x5  }
0x1b9: {  	v14 =	vsub.s32 v14, v0;
	_ =	sdelay $0x4  }
0x1ba: {  	v14 =	vld.idx.msk [tilespmem:v14+s20+$0x0], $0xffff;
	_ =	sdelay $0x5  }
0x1bb: {  	v14 =	vcvt.s32.f32 v14;
	_ =	sdelay $0x1  }
0x1bc: {  	(erf) = vrcp.f32 v14;
	_ =	sdelay $0x1  }
.Ltmp17:
0x1bd: {  	(pc) =	sbr.rel @p1 .LBB2_24-.Ltmp17, $2  }
0x1be: {  	_ =	sdelay $0x2  }
0x1bf: {  	v14 =	vor.u32 s9, v3;
	s9 =	sadd.s32 $0x10, s9  }
0x1c0: {  	_ =	sdelay $0x2  }
0x1c1: {  	v15 =	vpop (erf)  }
0x1c2: {  	[tilespmem:v13+s26+$0x0] =	vst.idx.msk $0xffff, v15  }
0x1c3: {  	v13 =	vld.idx.msk [tilespmem:v14+s21+$0x0], $0xffff;
	_ =	sdelay $0x4  }
0x1c4: {  	v13 =	vsub.s32 v13, v0;
	_ =	sdelay $0x4  }
0x1c5: {  	v13 =	vld.idx.msk [tilespmem:v13+s20+$0x0], $0xffff;
	_ =	sdelay $0x4  }
0x1c6: {  	v13 =	vcvt.s32.f32 v13;
	_ =	sdelay $0x1  }
0x1c7: {  	(erf) = vrcp.f32 v13;
	_ =	sdelay $0x3  }
0x1c8: {  	v13 =	vmov s8  }
0x1c9: {  	v15 =	vshll.u32 v13, $0x7  }
0x1ca: {  	v16 =	vor.u32 v3, v15;
	_ =	sdelay $0x2  }
0x1cb: {  	v17 =	vpop (erf)  }
0x1cc: {  	[tilespmem:v14+s26+$0x0] =	vst.idx.msk $0xffff, v17  }
0x1cd: {  	v14 =	vld.idx.msk [tilespmem:v16+s23+$0x0], $0xffff  }
0x1ce: {  	v17 =	vld.idx.msk [tilespmem:v16+s16+$0x0], $0xffff;
	_ =	sdelay $0x1  }
0x1cf: {  	v13 =	vld.idx.msk [tilespmem:v13+s26+$0x0], $0xffff;
	_ =	sdelay $0x2  }
0x1d0: {  	v14 =	vsub.f32 v14, v17;
	_ =	sdelay $0x1  }
0x1d1: {  	v18 =	vor.u32 v6, v15;
	v14 =	vmul.f32 v14, v13;
	_ =	sdelay $0x1  }
0x1d2: {  	v14 =	vadd.f32 v14, v17;
	_ =	sdelay $0x1  }
0x1d3: {  	[tilespmem:v16+s28+$0x0] =	vst.idx.msk $0xffff, v14  }
0x1d4: {  	v14 =	vld.idx.msk [tilespmem:v18+s23+$0x0], $0xffff  }
0x1d5: {  	v16 =	vld.idx.msk [tilespmem:v18+s16+$0x0], $0xffff;
	_ =	sdelay $0x4  }
0x1d6: {  	v14 =	vsub.f32 v14, v16;
	_ =	sdelay $0x1  }
0x1d7: {  	v17 =	vor.u32 v7, v15;
	v14 =	vmul.f32 v14, v13;
	_ =	sdelay $0x1  }
0x1d8: {  	v14 =	vadd.f32 v14, v16;
	_ =	sdelay $0x1  }
0x1d9: {  	[tilespmem:v18+s28+$0x0] =	vst.idx.msk $0xffff, v14  }
0x1da: {  	v14 =	vld.idx.msk [tilespmem:v17+s23+$0x0], $0xffff  }
0x1db: {  	v16 =	vld.idx.msk [tilespmem:v17+s16+$0x0], $0xffff;
	_ =	sdelay $0x4  }
0x1dc: {  	v14 =	vsub.f32 v14, v16;
	_ =	sdelay $0x1  }
0x1dd: {  	v18 =	vor.u32 v8, v15;
	v14 =	vmul.f32 v14, v13;
	_ =	sdelay $0x1  }
0x1de: {  	v14 =	vadd.f32 v14, v16;
	_ =	sdelay $0x1  }
0x1df: {  	[tilespmem:v17+s28+$0x0] =	vst.idx.msk $0xffff, v14  }
0x1e0: {  	v14 =	vld.idx.msk [tilespmem:v18+s23+$0x0], $0xffff  }
0x1e1: {  	v16 =	vld.idx.msk [tilespmem:v18+s16+$0x0], $0xffff;
	_ =	sdelay $0x4  }
0x1e2: {  	v14 =	vsub.f32 v14, v16;
	_ =	sdelay $0x1  }
0x1e3: {  	v17 =	vor.u32 v9, v15;
	v14 =	vmul.f32 v14, v13;
	_ =	sdelay $0x1  }
0x1e4: {  	v14 =	vadd.f32 v14, v16;
	_ =	sdelay $0x1  }
0x1e5: {  	[tilespmem:v18+s28+$0x0] =	vst.idx.msk $0xffff, v14  }
0x1e6: {  	v14 =	vld.idx.msk [tilespmem:v17+s23+$0x0], $0xffff  }
0x1e7: {  	v16 =	vld.idx.msk [tilespmem:v17+s16+$0x0], $0xffff;
	_ =	sdelay $0x4  }
0x1e8: {  	v14 =	vsub.f32 v14, v16;
	_ =	sdelay $0x1  }
0x1e9: {  	v18 =	vor.u32 v10, v15;
	v14 =	vmul.f32 v14, v13;
	_ =	sdelay $0x1  }
0x1ea: {  	v14 =	vadd.f32 v14, v16;
	_ =	sdelay $0x1  }
0x1eb: {  	[tilespmem:v17+s28+$0x0] =	vst.idx.msk $0xffff, v14  }
0x1ec: {  	v14 =	vld.idx.msk [tilespmem:v18+s23+$0x0], $0xffff  }
0x1ed: {  	v16 =	vld.idx.msk [tilespmem:v18+s16+$0x0], $0xffff;
	_ =	sdelay $0x4  }
0x1ee: {  	v14 =	vsub.f32 v14, v16;
	_ =	sdelay $0x1  }
0x1ef: {  	v17 =	vor.u32 v11, v15;
	v14 =	vmul.f32 v14, v13;
	_ =	sdelay $0x1  }
0x1f0: {  	v14 =	vadd.f32 v14, v16;
	_ =	sdelay $0x1  }
0x1f1: {  	[tilespmem:v18+s28+$0x0] =	vst.idx.msk $0xffff, v14  }
0x1f2: {  	v14 =	vld.idx.msk [tilespmem:v17+s23+$0x0], $0xffff  }
0x1f3: {  	v16 =	vld.idx.msk [tilespmem:v17+s16+$0x0], $0xffff;
	_ =	sdelay $0x4  }
0x1f4: {  	v14 =	vsub.f32 v14, v16;
	_ =	sdelay $0x1  }
0x1f5: {  	v15 =	vor.u32 v12, v15;
	v14 =	vmul.f32 v14, v13;
	_ =	sdelay $0x1  }
0x1f6: {  	v14 =	vadd.f32 v14, v16;
	_ =	sdelay $0x1  }
0x1f7: {  	[tilespmem:v17+s28+$0x0] =	vst.idx.msk $0xffff, v14  }
0x1f8: {  	v14 =	vld.idx.msk [tilespmem:v15+s23+$0x0], $0xffff  }
0x1f9: {  	s8 =	simm.s32 $0x1;
	v16 =	vld.idx.msk [tilespmem:v15+s16+$0x0], $0xffff  }
.LBB2_26:
0x1fa: {  	_ =	sdelay $0x1  }
0x1fb: {  	p1 =	sne.s32 s8, $0x7F;
	s9 =	smov.u32 s8;
	s8 =	sadd.s32 $0x1, s8  }
0x1fc: {  	_ = 	snop  }
0x1fd: {  	v17 =	vmov s9;
	v18 =	vsub.f32 v14, v16  }
0x1fe: {  	v14 =	vshll.u32 v17, $0x7  }
0x1ff: {  	v19 =	vor.u32 v3, v14;
	v13 =	vmul.f32 v18, v13;
	_ =	sdelay $0x1  }
0x200: {  	v13 =	vadd.f32 v13, v16;
	_ =	sdelay $0x1  }
0x201: {  	[tilespmem:v15+s28+$0x0] =	vst.idx.msk $0xffff, v13  }
0x202: {  	v15 =	vld.idx.msk [tilespmem:v19+s23+$0x0], $0xffff  }
0x203: {  	v16 =	vld.idx.msk [tilespmem:v19+s16+$0x0], $0xffff  }
0x204: {  	v13 =	vld.idx.msk [tilespmem:v17+s26+$0x0], $0xffff;
	_ =	sdelay $0x4  }
0x205: {  	v15 =	vsub.f32 v15, v16;
	_ =	sdelay $0x1  }
0x206: {  	v17 =	vor.u32 v6, v14;
	v15 =	vmul.f32 v15, v13;
	_ =	sdelay $0x1  }
0x207: {  	v15 =	vadd.f32 v15, v16;
	_ =	sdelay $0x1  }
0x208: {  	[tilespmem:v19+s28+$0x0] =	vst.idx.msk $0xffff, v15  }
0x209: {  	v15 =	vld.idx.msk [tilespmem:v17+s23+$0x0], $0xffff  }
0x20a: {  	v16 =	vld.idx.msk [tilespmem:v17+s16+$0x0], $0xffff;
	_ =	sdelay $0x5  }
0x20b: {  	v15 =	vsub.f32 v15, v16;
	_ =	sdelay $0x1  }
0x20c: {  	v18 =	vor.u32 v7, v14;
	v15 =	vmul.f32 v15, v13;
	_ =	sdelay $0x1  }
0x20d: {  	v15 =	vadd.f32 v15, v16;
	_ =	sdelay $0x1  }
0x20e: {  	[tilespmem:v17+s28+$0x0] =	vst.idx.msk $0xffff, v15  }
0x20f: {  	v15 =	vld.idx.msk [tilespmem:v18+s23+$0x0], $0xffff  }
0x210: {  	v16 =	vld.idx.msk [tilespmem:v18+s16+$0x0], $0xffff;
	_ =	sdelay $0x5  }
0x211: {  	v15 =	vsub.f32 v15, v16;
	_ =	sdelay $0x1  }
0x212: {  	v17 =	vor.u32 v8, v14;
	v15 =	vmul.f32 v15, v13;
	_ =	sdelay $0x1  }
0x213: {  	v15 =	vadd.f32 v15, v16;
	_ =	sdelay $0x1  }
0x214: {  	[tilespmem:v18+s28+$0x0] =	vst.idx.msk $0xffff, v15  }
0x215: {  	v15 =	vld.idx.msk [tilespmem:v17+s23+$0x0], $0xffff  }
0x216: {  	v16 =	vld.idx.msk [tilespmem:v17+s16+$0x0], $0xffff;
	_ =	sdelay $0x5  }
0x217: {  	v15 =	vsub.f32 v15, v16;
	_ =	sdelay $0x1  }
0x218: {  	v18 =	vor.u32 v9, v14;
	v15 =	vmul.f32 v15, v13;
	_ =	sdelay $0x1  }
0x219: {  	v15 =	vadd.f32 v15, v16;
	_ =	sdelay $0x1  }
0x21a: {  	[tilespmem:v17+s28+$0x0] =	vst.idx.msk $0xffff, v15  }
0x21b: {  	v15 =	vld.idx.msk [tilespmem:v18+s23+$0x0], $0xffff  }
0x21c: {  	v16 =	vld.idx.msk [tilespmem:v18+s16+$0x0], $0xffff;
	_ =	sdelay $0x5  }
0x21d: {  	v15 =	vsub.f32 v15, v16;
	_ =	sdelay $0x1  }
0x21e: {  	v17 =	vor.u32 v10, v14;
	v15 =	vmul.f32 v15, v13;
	_ =	sdelay $0x1  }
0x21f: {  	v15 =	vadd.f32 v15, v16;
	_ =	sdelay $0x1  }
0x220: {  	[tilespmem:v18+s28+$0x0] =	vst.idx.msk $0xffff, v15  }
0x221: {  	v15 =	vld.idx.msk [tilespmem:v17+s23+$0x0], $0xffff  }
0x222: {  	v16 =	vld.idx.msk [tilespmem:v17+s16+$0x0], $0xffff;
	_ =	sdelay $0x5  }
0x223: {  	v15 =	vsub.f32 v15, v16;
	_ =	sdelay $0x1  }
0x224: {  	v18 =	vor.u32 v11, v14;
	v15 =	vmul.f32 v15, v13;
	_ =	sdelay $0x1  }
0x225: {  	v15 =	vadd.f32 v15, v16;
	_ =	sdelay $0x1  }
0x226: {  	[tilespmem:v17+s28+$0x0] =	vst.idx.msk $0xffff, v15  }
0x227: {  	v15 =	vld.idx.msk [tilespmem:v18+s23+$0x0], $0xffff  }
0x228: {  	v16 =	vld.idx.msk [tilespmem:v18+s16+$0x0], $0xffff;
	_ =	sdelay $0x5  }
0x229: {  	v15 =	vsub.f32 v15, v16;
	_ =	sdelay $0x1  }
0x22a: {  	v17 =	vmul.f32 v15, v13;
	v15 =	vor.u32 v12, v14;
	_ =	sdelay $0x1  }
.Ltmp18:
0x22b: {  	v14 =	vadd.f32 v17, v16;
	(pc) =	sbr.rel @p1 .LBB2_26-.Ltmp18, $4  }
0x22c: {  	_ = 	snop  }
0x22d: {  	[tilespmem:v18+s28+$0x0] =	vst.idx.msk $0xffff, v14  }
0x22e: {  	v14 =	vld.idx.msk [tilespmem:v15+s23+$0x0], $0xffff  }
0x22f: {  	v16 =	vld.idx.msk [tilespmem:v15+s16+$0x0], $0xffff  }
0x230: {  	_ =	sdelay $0x3  }
0x231: {  	v14 =	vsub.f32 v14, v16;
	_ =	sdelay $0x1  }
0x232: {  	v13 =	vmul.f32 v14, v13;
	_ =	sdelay $0x1  }
0x233: {  	v13 =	vadd.f32 v13, v16  }
0x234: {  	s6 =	sadd.s32 $0x1, s6  }
0x235: {  	p1 =	sne.s32 s6, s2;
	[tilespmem:v15+s28+$0x0] =	vst.idx.msk $0xffff, v13  }
0x236: {  	[hbm4b:s7+s22] =	stream.indirect.scatter [tilespmem:s28], [sflag:$0x3], $0x80, s21, s22, $0xb8;
	[tilespmem:$0x13500] =	vst v63  }
.Ltmp19:
0x237: {  	_ = 	snop;
	(pc) =	sbr.rel @p1 .LBB2_21-.Ltmp19, $4  }
.Ltmp20:
0x238: {  	_ = 	snop;
	(pc) =	sbr.rel @!p1 .LBB2_28-.Ltmp20, $4  }
0x239: {  	_ =	swait.ge [sflag:s29], $0x4000  }
0x23a: {  	[sflag:s29] =	ssyncset.done $0x0  }
0x23b: {  	s0 =	sadd.s32 $0x80, s0;
	[sflag:s29] =	ssyncadd.s32 $0xFFFFC000  }
0x23c: {  	_ = 	snop  }
.LBB2_12:
.Ltmp21:
0x23d: {  	(pc) =	sbr.rel .LBB2_15-.Ltmp21, $2  }
0x23e: {  	_ =	sdelay $0x2  }
0x23f: {  	v16 =	vmov v14  }
.LBB2_29:
0x240: {  	_ =	sfence.sel $0x180000  }
0x241: {  	[bflag:$0x0] =	sbarrier.arrive $0xFFFF  }
0x242: {  	_ =	strace $0x90000047  }
0x243: {  	s0 =	stileid.u32;
	[bflag:$0x2] =	sbarrier.arrive $0xFFFF  }
0x244: {  	p0 =	sne.s32 s0, $0x0;
	s0 =	rddreg [dreg:$0x4]  }
0x245: {  	s0 =	sadd.s32 @!p0 $0x100000, s0  }
0x246: {  	[sflag:s0] =	ssyncadd.tile.s32 @!p0 $0x1;
	_ =	shalt  }
.Lfunc_end2:
_tile_overlayer_lowered:
.L_overlay_start_2:
0x247: {  	(tag) =	ssettag $0x2  }
0x248: {  	s0 =	rddreg [dreg:$0x0];
	s2 =	stileid.u32  }
0x249: {  	s1 =	rddreg [dreg:$0x1];
	p0 =	sne.s32 s2, $0x0  }
0x24a: {  	s3 =	rddreg [dreg:$0x2];
	[bflag:$0x3] =	sbarrier.arrive $0xFFFF;
	s2 =	simm.s32 @!p0 $0x1C04  }
0x24b: {  	[timem:s3], [sflag:s2] =	dma.local @!p0 [hbm:s0], s1  }
0x24c: {  	s0 =	simm.s32 @!p0 $0x4  }
0x24d: {  	_ =	swait.ge @!p0 [sflag:s0], s1  }
0x24e: {  	s1 =	ssub.s32 @!p0 $0x0, s1;
	[sflag:s0] =	ssyncset.done @!p0 $0x0  }
0x24f: {  	[sflag:s0] =	ssyncadd.s32 @!p0 s1  }
0x250: {  	[bflag:$0x3] =	sbarrier.arrive $0xFFFF  }
0x251: {  	_ =	shalt  }

</sc_bundles>
